<compile_context>
chip_gen: v7x
topology: tpu7x:2x2x1
jax: 0.10.2.dev20260603
libtpu: 0.0.44.dev20260713+nightly
codegen_flags: <defaults>
</compile_context>

<pallas_src>
import functools
import jax
import jax.numpy as jnp
from jax import lax
from jax.experimental import pallas as pl
from jax.experimental.pallas import tpu as pltpu
from jax.experimental.pallas import tpu_sc as plsc

B, L, D = 4, 2048, 768
NW = 32
L_SC = 256
L0_SC = L - L_SC
CH = L_SC // 8
VL = 16
BL = 448


def _sc_part(x, emb):
    mesh = plsc.VectorSubcoreMesh(core_axis_name="c", subcore_axis_name="s")

    @functools.partial(
        pl.kernel,
        mesh=mesh,
        out_type=jax.ShapeDtypeStruct((B, L_SC, D), jnp.float32),
        scratch_types=[
            pltpu.VMEM((CH, D), jnp.float32),
            pltpu.VMEM((CH, D), jnp.float32),
            pltpu.SemaphoreType.DMA,
            pltpu.SemaphoreType.DMA,
        ],
    )
    def k(x_hbm, emb_hbm, out_hbm, bufe, bufx, sem_e, sem_x):
        wid = lax.axis_index("s") * 2 + lax.axis_index("c")
        b = wid // 8
        l0 = lax.rem(wid, 8) * CH
        he = pltpu.async_copy(emb_hbm.at[pl.ds(L0_SC + l0, CH)], bufe, sem_e)
        hx = pltpu.async_copy(x_hbm.at[b, pl.ds(L0_SC + l0, CH)], bufx, sem_x)
        he.wait()
        hx.wait()

        @plsc.parallel_loop(0, CH, step=1, unroll=2)
        def _add(r):
            for cc in range(0, D, VL):
                plsc.addupdate(bufx.at[r, pl.ds(cc, VL)], bufe[r, pl.ds(cc, VL)])

        pltpu.sync_copy(bufx, out_hbm.at[b, pl.ds(l0, CH)])

    return k(x, emb)


def _tc_body(x_ref, e_ref, o_ref):
    o_ref[...] = x_ref[...] + e_ref[...][None, :, :]


def _tc_part(x, emb):
    return pl.pallas_call(
        _tc_body,
        grid=((L - L_SC) // BL,),
        in_specs=[
            pl.BlockSpec((B, BL, D), lambda i: (0, i, 0)),
            pl.BlockSpec((BL, D), lambda i: (i, 0)),
        ],
        out_specs=pl.BlockSpec((B, BL, D), lambda i: (0, i, 0)),
        out_shape=jax.ShapeDtypeStruct((B, L, D), x.dtype),
    )(x, emb)


def kernel(x, row_embed):
    out_sc = _sc_part(x, row_embed)
    out_tc = _tc_part(x, row_embed)
    return lax.dynamic_update_slice(out_tc, out_sc, (0, L0_SC, 0))

# --- scband reference (transcript-rebuilt; emitter-appended) ---
"""Pipeline reference for scband-position-encoding-learned-16140487098828 (READ-ONLY COPY).

The authoritative reference and input builder live on the scoring server;
editing this copy changes nothing except your own understanding.
"""

import jax, jax.numpy as jnp
import numpy as np

N_FILTERS = 768
MAX_LEN = 2048
B = 4
L = 2048

def setup_inputs(seed: int = 0) -> dict:
    key = jax.random.key(seed)
    k1, k2 = jax.random.split(key)
    x = jax.random.normal(k1, (B, L, N_FILTERS), dtype=jnp.float32)
    # nn.init.uniform_ -> U[0, 1)
    row_embed = jax.random.uniform(k2, (MAX_LEN, N_FILTERS), dtype=jnp.float32)
    return {"x": x, "row_embed": row_embed}

def reference(x, row_embed):
    # j = arange(x.size(1)); y_emb = row_embed(j)
    j = jnp.arange(x.shape[1])
    y_emb = jnp.take(row_embed, j, axis=0)  # [L, d]
    # pos = y_emb.unsqueeze(0).repeat(B, 1, 1)
    pos = jnp.broadcast_to(y_emb[None, :, :], (x.shape[0], x.shape[1], x.shape[2]))
    return x + pos

if __name__ == "__main__":
    import jax
    _d = setup_inputs()
    print(jax.jit(kernel)(*tuple(_d.values())))

</pallas_src>

<mosaic_0001>
#map = affine_map<(d0, d1) -> (0, 0, 0)>
#map1 = affine_map<(d0, d1) -> (0, 0)>
module attributes {stable_mosaic.version = 14 : i64} {
  func.func @k(%arg0: i32, %arg1: i32, %arg2: memref<4x2048x768xf32, #tpu.memory_space<hbm>>, %arg3: memref<2048x768xf32, #tpu.memory_space<hbm>>, %arg4: memref<4x256x768xf32, #tpu.memory_space<hbm>>, %arg5: memref<32x768xf32, #tpu.memory_space<vmem>>, %arg6: memref<32x768xf32, #tpu.memory_space<vmem>>, %arg7: memref<!tpu.dma_semaphore, #tpu.memory_space<semaphore_mem>>, %arg8: memref<!tpu.dma_semaphore, #tpu.memory_space<semaphore_mem>>) attributes {dimension_semantics = [#tpu.dimension_semantics<core_parallel>, #tpu.dimension_semantics<subcore_parallel>], iteration_bounds = array<i64: 2, 16>, scalar_prefetch = 0 : i64, scratch_operands = 4 : i64, tpu.core_type = #tpu.core_type<sc_vector_subcore>, window_params = [{transform_indices = #map}, {transform_indices = #map1}, {transform_indices = #map}]} {
    %mul3A = arith.constant 2 : i32
    %mul3A_0 = arith.muli %arg1, %mul3A : i32
    %add3A = arith.addi %mul3A_0, %arg0 : i32
    %jit3A = arith.constant 8 : i32
    %div3A = arith.divsi %add3A, %jit3A : i32
    %sign3A = arith.constant 0 : i32
    %sign3A_1 = arith.cmpi sgt, %add3A, %sign3A : i32
    %sign3A_2 = arith.extui %sign3A_1 : i1 to i32
    %sign3A_3 = arith.constant 0 : i32
    %sign3A_4 = arith.cmpi slt, %add3A, %sign3A_3 : i32
    %sign3A_5 = arith.extui %sign3A_4 : i1 to i32
    %sign3A_6 = arith.subi %sign3A_2, %sign3A_5 : i32
    %sign3A_7 = arith.constant 0 : i32
    %sign3A_8 = arith.cmpi sgt, %jit3A, %sign3A_7 : i32
    %sign3A_9 = arith.extui %sign3A_8 : i1 to i32
    %sign3A_10 = arith.constant 0 : i32
    %sign3A_11 = arith.cmpi slt, %jit3A, %sign3A_10 : i32
    %sign3A_12 = arith.extui %sign3A_11 : i1 to i32
    %sign3A_13 = arith.subi %sign3A_9, %sign3A_12 : i32
    %ne3A = arith.cmpi ne, %sign3A_6, %sign3A_13 : i32
    %rem3A = arith.remsi %add3A, %jit3A : i32
    %ne3A_14 = arith.constant 0 : i32
    %ne3A_15 = arith.cmpi ne, %rem3A, %ne3A_14 : i32
    %and3A = arith.andi %ne3A, %ne3A_15 : i1
    %sub3A = arith.constant 1 : i32
    %sub3A_16 = arith.subi %div3A, %sub3A : i32
    %select_n3A = arith.select %and3A, %sub3A_16, %div3A : i32
    %rem3A_17 = arith.constant 8 : i32
    %rem3A_18 = arith.remsi %add3A, %rem3A_17 : i32
    %mul3A_19 = arith.constant 32 : i32
    %mul3A_20 = arith.muli %rem3A_18, %mul3A_19 : i32
    %add3A_21 = arith.constant 1792 : i32
    %add3A_22 = arith.addi %add3A_21, %mul3A_20 : i32
    %dma_start3A = arith.constant 0 : i32
    %dma_start3A_23 = tpu.memref_slice %arg3[%add3A_22, %dma_start3A] : memref<2048x768xf32, #tpu.memory_space<hbm>> -> memref<32x768xf32, #tpu.memory_space<hbm>>
    %dma_start3A_24 = arith.constant 0 : i32
    %dma_start3A_25 = tpu.memref_slice %arg3[%add3A_22, %dma_start3A_24] : memref<2048x768xf32, #tpu.memory_space<hbm>> -> memref<32x768xf32, #tpu.memory_space<hbm>>
    tpu.enqueue_dma source(%dma_start3A_25 : memref<32x768xf32, #tpu.memory_space<hbm>>) target(%arg5 : memref<32x768xf32, #tpu.memory_space<vmem>>) target_semaphore(%arg7 : memref<!tpu.dma_semaphore, #tpu.memory_space<semaphore_mem>>)
    %add3A_26 = arith.constant 1792 : i32
    %add3A_27 = arith.addi %add3A_26, %mul3A_20 : i32
    %dma_start3A_28 = arith.constant 0 : i32
    %dma_start3A_29 = tpu.memref_slice %arg2[%select_n3A, %add3A_27, %dma_start3A_28] : memref<4x2048x768xf32, #tpu.memory_space<hbm>> -> memref<1x32x768xf32, #tpu.memory_space<hbm>>
    %dma_start3A_30 = tpu.memref_squeeze %dma_start3A_29 : memref<1x32x768xf32, #tpu.memory_space<hbm>> -> memref<32x768xf32, #tpu.memory_space<hbm>>
    %dma_start3A_31 = arith.constant 0 : i32
    %dma_start3A_32 = tpu.memref_slice %arg2[%select_n3A, %add3A_27, %dma_start3A_31] : memref<4x2048x768xf32, #tpu.memory_space<hbm>> -> memref<1x32x768xf32, #tpu.memory_space<hbm>>
    %dma_start3A_33 = tpu.memref_squeeze %dma_start3A_32 : memref<1x32x768xf32, #tpu.memory_space<hbm>> -> memref<32x768xf32, #tpu.memory_space<hbm>>
    tpu.enqueue_dma source(%dma_start3A_33 : memref<32x768xf32, #tpu.memory_space<hbm>>) target(%arg6 : memref<32x768xf32, #tpu.memory_space<vmem>>) target_semaphore(%arg8 : memref<!tpu.dma_semaphore, #tpu.memory_space<semaphore_mem>>)
    %dma_wait3A = arith.constant 0 : i32
    %dma_wait3A_34 = tpu.memref_slice %arg3[%add3A_22, %dma_wait3A] : memref<2048x768xf32, #tpu.memory_space<hbm>> -> memref<32x768xf32, #tpu.memory_space<hbm>>
    %dma_wait3A_35 = arith.constant 0 : i32
    %dma_wait3A_36 = tpu.memref_slice %arg3[%add3A_22, %dma_wait3A_35] : memref<2048x768xf32, #tpu.memory_space<hbm>> -> memref<32x768xf32, #tpu.memory_space<hbm>>
    tpu.wait_dma2 semaphore(%arg7 : memref<!tpu.dma_semaphore, #tpu.memory_space<semaphore_mem>>) src(%dma_wait3A_36 : memref<32x768xf32, #tpu.memory_space<hbm>>) dst(%arg5 : memref<32x768xf32, #tpu.memory_space<vmem>>)
    %dma_wait3A_37 = arith.constant 0 : i32
    %dma_wait3A_38 = tpu.memref_slice %arg2[%select_n3A, %add3A_27, %dma_wait3A_37] : memref<4x2048x768xf32, #tpu.memory_space<hbm>> -> memref<1x32x768xf32, #tpu.memory_space<hbm>>
    %dma_wait3A_39 = tpu.memref_squeeze %dma_wait3A_38 : memref<1x32x768xf32, #tpu.memory_space<hbm>> -> memref<32x768xf32, #tpu.memory_space<hbm>>
    %dma_wait3A_40 = arith.constant 0 : i32
    %dma_wait3A_41 = tpu.memref_slice %arg2[%select_n3A, %add3A_27, %dma_wait3A_40] : memref<4x2048x768xf32, #tpu.memory_space<hbm>> -> memref<1x32x768xf32, #tpu.memory_space<hbm>>
    %dma_wait3A_42 = tpu.memref_squeeze %dma_wait3A_41 : memref<1x32x768xf32, #tpu.memory_space<hbm>> -> memref<32x768xf32, #tpu.memory_space<hbm>>
    tpu.wait_dma2 semaphore(%arg8 : memref<!tpu.dma_semaphore, #tpu.memory_space<semaphore_mem>>) src(%dma_wait3A_42 : memref<32x768xf32, #tpu.memory_space<hbm>>) dst(%arg6 : memref<32x768xf32, #tpu.memory_space<vmem>>)
    %parallel_loop3A = arith.constant 0 : i32
    %parallel_loop3A_43 = arith.constant 32 : i32
    %parallel_loop3A_44 = arith.constant 1 : i32
    scf.for %parallel_loop3A_45 = %parallel_loop3A to %parallel_loop3A_43 step %parallel_loop3A_44  : i32 {
      %parallel_loop3A_46 = arith.index_cast %parallel_loop3A_45 : i32 to index
      %parallel_loop3A_47 = arith.constant 0 : index
      %parallel_loop3A_48 = tpu.vector_load %arg5[%parallel_loop3A_46, %parallel_loop3A_47] {strides = array<i32>} : memref<32x768xf32, #tpu.memory_space<vmem>>, vector<1x16xf32>,
      %parallel_loop3A_49 = vector.shape_cast %parallel_loop3A_48 : vector<1x16xf32> to vector<16xf32>
      %parallel_loop3A_50 = arith.index_cast %parallel_loop3A_45 : i32 to index
      %parallel_loop3A_51 = arith.constant 0 : index
      %parallel_loop3A_52 = tpu.vector_load %arg6[%parallel_loop3A_50, %parallel_loop3A_51] {strides = array<i32>} : memref<32x768xf32, #tpu.memory_space<vmem>>, vector<1x16xf32>,
      %parallel_loop3A_53 = vector.shape_cast %parallel_loop3A_52 : vector<1x16xf32> to vector<16xf32>
      %parallel_loop3A_54 = vector.shape_cast %parallel_loop3A_49 : vector<16xf32> to vector<1x16xf32>
      tpu.vector_store %arg6[%parallel_loop3A_50, %parallel_loop3A_51], %parallel_loop3A_54 {add = true, strides = array<i32>} : memref<32x768xf32, #tpu.memory_space<vmem>>, vector<1x16xf32>,
      %parallel_loop3A_55 = arith.index_cast %parallel_loop3A_45 : i32 to index
      %parallel_loop3A_56 = arith.constant 16 : index
      %parallel_loop3A_57 = tpu.vector_load %arg5[%parallel_loop3A_55, %parallel_loop3A_56] {strides = array<i32>} : memref<32x768xf32, #tpu.memory_space<vmem>>, vector<1x16xf32>,
      %parallel_loop3A_58 = vector.shape_cast %parallel_loop3A_57 : vector<1x16xf32> to vector<16xf32>
      %parallel_loop3A_59 = arith.index_cast %parallel_loop3A_45 : i32 to index
      %parallel_loop3A_60 = arith.constant 16 : index
      %parallel_loop3A_61 = tpu.vector_load %arg6[%parallel_loop3A_59, %parallel_loop3A_60] {strides = array<i32>} : memref<32x768xf32, #tpu.memory_space<vmem>>, vector<1x16xf32>,
      %parallel_loop3A_62 = vector.shape_cast %parallel_loop3A_61 : vector<1x16xf32> to vector<16xf32>
      %parallel_loop3A_63 = vector.shape_cast %parallel_loop3A_58 : vector<16xf32> to vector<1x16xf32>
      tpu.vector_store %arg6[%parallel_loop3A_59, %parallel_loop3A_60], %parallel_loop3A_63 {add = true, strides = array<i32>} : memref<32x768xf32, #tpu.memory_space<vmem>>, vector<1x16xf32>,
      %parallel_loop3A_64 = arith.index_cast %parallel_loop3A_45 : i32 to index
      %parallel_loop3A_65 = arith.constant 32 : index
      %parallel_loop3A_66 = tpu.vector_load %arg5[%parallel_loop3A_64, %parallel_loop3A_65] {strides = array<i32>} : memref<32x768xf32, #tpu.memory_space<vmem>>, vector<1x16xf32>,
      %parallel_loop3A_67 = vector.shape_cast %parallel_loop3A_66 : vector<1x16xf32> to vector<16xf32>
      %parallel_loop3A_68 = arith.index_cast %parallel_loop3A_45 : i32 to index
      %parallel_loop3A_69 = arith.constant 32 : index
      %parallel_loop3A_70 = tpu.vector_load %arg6[%parallel_loop3A_68, %parallel_loop3A_69] {strides = array<i32>} : memref<32x768xf32, #tpu.memory_space<vmem>>, vector<1x16xf32>,
      %parallel_loop3A_71 = vector.shape_cast %parallel_loop3A_70 : vector<1x16xf32> to vector<16xf32>
      %parallel_loop3A_72 = vector.shape_cast %parallel_loop3A_67 : vector<16xf32> to vector<1x16xf32>
      tpu.vector_store %arg6[%parallel_loop3A_68, %parallel_loop3A_69], %parallel_loop3A_72 {add = true, strides = array<i32>} : memref<32x768xf32, #tpu.memory_space<vmem>>, vector<1x16xf32>,
      %parallel_loop3A_73 = arith.index_cast %parallel_loop3A_45 : i32 to index
      %parallel_loop3A_74 = arith.constant 48 : index
      %parallel_loop3A_75 = tpu.vector_load %arg5[%parallel_loop3A_73, %parallel_loop3A_74] {strides = array<i32>} : memref<32x768xf32, #tpu.memory_space<vmem>>, vector<1x16xf32>,
      %parallel_loop3A_76 = vector.shape_cast %parallel_loop3A_75 : vector<1x16xf32> to vector<16xf32>
      %parallel_loop3A_77 = arith.index_cast %parallel_loop3A_45 : i32 to index
      %parallel_loop3A_78 = arith.constant 48 : index
      %parallel_loop3A_79 = tpu.vector_load %arg6[%parallel_loop3A_77, %parallel_loop3A_78] {strides = array<i32>} : memref<32x768xf32, #tpu.memory_space<vmem>>, vector<1x16xf32>,
      %parallel_loop3A_80 = vector.shape_cast %parallel_loop3A_79 : vector<1x16xf32> to vector<16xf32>
      %parallel_loop3A_81 = vector.shape_cast %parallel_loop3A_76 : vector<16xf32> to vector<1x16xf32>
      tpu.vector_store %arg6[%parallel_loop3A_77, %parallel_loop3A_78], %parallel_loop3A_81 {add = true, strides = array<i32>} : memref<32x768xf32, #tpu.memory_space<vmem>>, vector<1x16xf32>,
      %parallel_loop3A_82 = arith.index_cast %parallel_loop3A_45 : i32 to index
      %parallel_loop3A_83 = arith.constant 64 : index
      %parallel_loop3A_84 = tpu.vector_load %arg5[%parallel_loop3A_82, %parallel_loop3A_83] {strides = array<i32>} : memref<32x768xf32, #tpu.memory_space<vmem>>, vector<1x16xf32>,
      %parallel_loop3A_85 = vector.shape_cast %parallel_loop3A_84 : vector<1x16xf32> to vector<16xf32>
      %parallel_loop3A_86 = arith.index_cast %parallel_loop3A_45 : i32 to index
      %parallel_loop3A_87 = arith.constant 64 : index
      %parallel_loop3A_88 = tpu.vector_load %arg6[%parallel_loop3A_86, %parallel_loop3A_87] {strides = array<i32>} : memref<32x768xf32, #tpu.memory_space<vmem>>, vector<1x16xf32>,
      %parallel_loop3A_89 = vector.shape_cast %parallel_loop3A_88 : vector<1x16xf32> to vector<16xf32>
      %parallel_loop3A_90 = vector.shape_cast %parallel_loop3A_85 : vector<16xf32> to vector<1x16xf32>
      tpu.vector_store %arg6[%parallel_loop3A_86, %parallel_loop3A_87], %parallel_loop3A_90 {add = true, strides = array<i32>} : memref<32x768xf32, #tpu.memory_space<vmem>>, vector<1x16xf32>,
      %parallel_loop3A_91 = arith.index_cast %parallel_loop3A_45 : i32 to index
      %parallel_loop3A_92 = arith.constant 80 : index
      %parallel_loop3A_93 = tpu.vector_load %arg5[%parallel_loop3A_91, %parallel_loop3A_92] {strides = array<i32>} : memref<32x768xf32, #tpu.memory_space<vmem>>, vector<1x16xf32>,
      %parallel_loop3A_94 = vector.shape_cast %parallel_loop3A_93 : vector<1x16xf32> to vector<16xf32>
      %parallel_loop3A_95 = arith.index_cast %parallel_loop3A_45 : i32 to index
      %parallel_loop3A_96 = arith.constant 80 : index
      %parallel_loop3A_97 = tpu.vector_load %arg6[%parallel_loop3A_95, %parallel_loop3A_96] {strides = array<i32>} : memref<32x768xf32, #tpu.memory_space<vmem>>, vector<1x16xf32>,
      %parallel_loop3A_98 = vector.shape_cast %parallel_loop3A_97 : vector<1x16xf32> to vector<16xf32>
      %parallel_loop3A_99 = vector.shape_cast %parallel_loop3A_94 : vector<16xf32> to vector<1x16xf32>
      tpu.vector_store %arg6[%parallel_loop3A_95, %parallel_loop3A_96], %parallel_loop3A_99 {add = true, strides = array<i32>} : memref<32x768xf32, #tpu.memory_space<vmem>>, vector<1x16xf32>,
      %parallel_loop3A_100 = arith.index_cast %parallel_loop3A_45 : i32 to index
      %parallel_loop3A_101 = arith.constant 96 : index
      %parallel_loop3A_102 = tpu.vector_load %arg5[%parallel_loop3A_100, %parallel_loop3A_101] {strides = array<i32>} : memref<32x768xf32, #tpu.memory_space<vmem>>, vector<1x16xf32>,
      %parallel_loop3A_103 = vector.shape_cast %parallel_loop3A_102 : vector<1x16xf32> to vector<16xf32>
      %parallel_loop3A_104 = arith.index_cast %parallel_loop3A_45 : i32 to index
      %parallel_loop3A_105 = arith.constant 96 : index
      %parallel_loop3A_106 = tpu.vector_load %arg6[%parallel_loop3A_104, %parallel_loop3A_105] {strides = array<i32>} : memref<32x768xf32, #tpu.memory_space<vmem>>, vector<1x16xf32>,
      %parallel_loop3A_107 = vector.shape_cast %parallel_loop3A_106 : vector<1x16xf32> to vector<16xf32>
      %parallel_loop3A_108 = vector.shape_cast %parallel_loop3A_103 : vector<16xf32> to vector<1x16xf32>
      tpu.vector_store %arg6[%parallel_loop3A_104, %parallel_loop3A_105], %parallel_loop3A_108 {add = true, strides = array<i32>} : memref<32x768xf32, #tpu.memory_space<vmem>>, vector<1x16xf32>,
      %parallel_loop3A_109 = arith.index_cast %parallel_loop3A_45 : i32 to index
      %parallel_loop3A_110 = arith.constant 112 : index
      %parallel_loop3A_111 = tpu.vector_load %arg5[%parallel_loop3A_109, %parallel_loop3A_110] {strides = array<i32>} : memref<32x768xf32, #tpu.memory_space<vmem>>, vector<1x16xf32>,
      %parallel_loop3A_112 = vector.shape_cast %parallel_loop3A_111 : vector<1x16xf32> to vector<16xf32>
      %parallel_loop3A_113 = arith.index_cast %parallel_loop3A_45 : i32 to index
      %parallel_loop3A_114 = arith.constant 112 : index
      %parallel_loop3A_115 = tpu.vector_load %arg6[%parallel_loop3A_113, %parallel_loop3A_114] {strides = array<i32>} : memref<32x768xf32, #tpu.memory_space<vmem>>, vector<1x16xf32>,
      %parallel_loop3A_116 = vector.shape_cast %parallel_loop3A_115 : vector<1x16xf32> to vector<16xf32>
      %parallel_loop3A_117 = vector.shape_cast %parallel_loop3A_112 : vector<16xf32> to vector<1x16xf32>
      tpu.vector_store %arg6[%parallel_loop3A_113, %parallel_loop3A_114], %parallel_loop3A_117 {add = true, strides = array<i32>} : memref<32x768xf32, #tpu.memory_space<vmem>>, vector<1x16xf32>,
      %parallel_loop3A_118 = arith.index_cast %parallel_loop3A_45 : i32 to index
      %parallel_loop3A_119 = arith.constant 128 : index
      %parallel_loop3A_120 = tpu.vector_load %arg5[%parallel_loop3A_118, %parallel_loop3A_119] {strides = array<i32>} : memref<32x768xf32, #tpu.memory_space<vmem>>, vector<1x16xf32>,
      %parallel_loop3A_121 = vector.shape_cast %parallel_loop3A_120 : vector<1x16xf32> to vector<16xf32>
      %parallel_loop3A_122 = arith.index_cast %parallel_loop3A_45 : i32 to index
      %parallel_loop3A_123 = arith.constant 128 : index
      %parallel_loop3A_124 = tpu.vector_load %arg6[%parallel_loop3A_122, %parallel_loop3A_123] {strides = array<i32>} : memref<32x768xf32, #tpu.memory_space<vmem>>, vector<1x16xf32>,
      %parallel_loop3A_125 = vector.shape_cast %parallel_loop3A_124 : vector<1x16xf32> to vector<16xf32>
      %parallel_loop3A_126 = vector.shape_cast %parallel_loop3A_121 : vector<16xf32> to vector<1x16xf32>
      tpu.vector_store %arg6[%parallel_loop3A_122, %parallel_loop3A_123], %parallel_loop3A_126 {add = true, strides = array<i32>} : memref<32x768xf32, #tpu.memory_space<vmem>>, vector<1x16xf32>,
      %parallel_loop3A_127 = arith.index_cast %parallel_loop3A_45 : i32 to index
      %parallel_loop3A_128 = arith.constant 144 : index
      %parallel_loop3A_129 = tpu.vector_load %arg5[%parallel_loop3A_127, %parallel_loop3A_128] {strides = array<i32>} : memref<32x768xf32, #tpu.memory_space<vmem>>, vector<1x16xf32>,
      %parallel_loop3A_130 = vector.shape_cast %parallel_loop3A_129 : vector<1x16xf32> to vector<16xf32>
      %parallel_loop3A_131 = arith.index_cast %parallel_loop3A_45 : i32 to index
      %parallel_loop3A_132 = arith.constant 144 : index
      %parallel_loop3A_133 = tpu.vector_load %arg6[%parallel_loop3A_131, %parallel_loop3A_132] {strides = array<i32>} : memref<32x768xf32, #tpu.memory_space<vmem>>, vector<1x16xf32>,
      %parallel_loop3A_134 = vector.shape_cast %parallel_loop3A_133 : vector<1x16xf32> to vector<16xf32>
      %parallel_loop3A_135 = vector.shape_cast %parallel_loop3A_130 : vector<16xf32> to vector<1x16xf32>
      tpu.vector_store %arg6[%parallel_loop3A_131, %parallel_loop3A_132], %parallel_loop3A_135 {add = true, strides = array<i32>} : memref<32x768xf32, #tpu.memory_space<vmem>>, vector<1x16xf32>,
      %parallel_loop3A_136 = arith.index_cast %parallel_loop3A_45 : i32 to index
      %parallel_loop3A_137 = arith.constant 160 : index
      %parallel_loop3A_138 = tpu.vector_load %arg5[%parallel_loop3A_136, %parallel_loop3A_137] {strides = array<i32>} : memref<32x768xf32, #tpu.memory_space<vmem>>, vector<1x16xf32>,
      %parallel_loop3A_139 = vector.shape_cast %parallel_loop3A_138 : vector<1x16xf32> to vector<16xf32>
      %parallel_loop3A_140 = arith.index_cast %parallel_loop3A_45 : i32 to index
      %parallel_loop3A_141 = arith.constant 160 : index
      %parallel_loop3A_142 = tpu.vector_load %arg6[%parallel_loop3A_140, %parallel_loop3A_141] {strides = array<i32>} : memref<32x768xf32, #tpu.memory_space<vmem>>, vector<1x16xf32>,
      %parallel_loop3A_143 = vector.shape_cast %parallel_loop3A_142 : vector<1x16xf32> to vector<16xf32>
      %parallel_loop3A_144 = vector.shape_cast %parallel_loop3A_139 : vector<16xf32> to vector<1x16xf32>
      tpu.vector_store %arg6[%parallel_loop3A_140, %parallel_loop3A_141], %parallel_loop3A_144 {add = true, strides = array<i32>} : memref<32x768xf32, #tpu.memory_space<vmem>>, vector<1x16xf32>,
      %parallel_loop3A_145 = arith.index_cast %parallel_loop3A_45 : i32 to index
      %parallel_loop3A_146 = arith.constant 176 : index
      %parallel_loop3A_147 = tpu.vector_load %arg5[%parallel_loop3A_145, %parallel_loop3A_146] {strides = array<i32>} : memref<32x768xf32, #tpu.memory_space<vmem>>, vector<1x16xf32>,
      %parallel_loop3A_148 = vector.shape_cast %parallel_loop3A_147 : vector<1x16xf32> to vector<16xf32>
      %parallel_loop3A_149 = arith.index_cast %parallel_loop3A_45 : i32 to index
      %parallel_loop3A_150 = arith.constant 176 : index
      %parallel_loop3A_151 = tpu.vector_load %arg6[%parallel_loop3A_149, %parallel_loop3A_150] {strides = array<i32>} : memref<32x768xf32, #tpu.memory_space<vmem>>, vector<1x16xf32>,
      %parallel_loop3A_152 = vector.shape_cast %parallel_loop3A_151 : vector<1x16xf32> to vector<16xf32>
      %parallel_loop3A_153 = vector.shape_cast %parallel_loop3A_148 : vector<16xf32> to vector<1x16xf32>
      tpu.vector_store %arg6[%parallel_loop3A_149, %parallel_loop3A_150], %parallel_loop3A_153 {add = true, strides = array<i32>} : memref<32x768xf32, #tpu.memory_space<vmem>>, vector<1x16xf32>,
      %parallel_loop3A_154 = arith.index_cast %parallel_loop3A_45 : i32 to index
      %parallel_loop3A_155 = arith.constant 192 : index
      %parallel_loop3A_156 = tpu.vector_load %arg5[%parallel_loop3A_154, %parallel_loop3A_155] {strides = array<i32>} : memref<32x768xf32, #tpu.memory_space<vmem>>, vector<1x16xf32>,
      %parallel_loop3A_157 = vector.shape_cast %parallel_loop3A_156 : vector<1x16xf32> to vector<16xf32>
      %parallel_loop3A_158 = arith.index_cast %parallel_loop3A_45 : i32 to index
      %parallel_loop3A_159 = arith.constant 192 : index
      %parallel_loop3A_160 = tpu.vector_load %arg6[%parallel_loop3A_158, %parallel_loop3A_159] {strides = array<i32>} : memref<32x768xf32, #tpu.memory_space<vmem>>, vector<1x16xf32>,
      %parallel_loop3A_161 = vector.shape_cast %parallel_loop3A_160 : vector<1x16xf32> to vector<16xf32>
      %parallel_loop3A_162 = vector.shape_cast %parallel_loop3A_157 : vector<16xf32> to vector<1x16xf32>
      tpu.vector_store %arg6[%parallel_loop3A_158, %parallel_loop3A_159], %parallel_loop3A_162 {add = true, strides = array<i32>} : memref<32x768xf32, #tpu.memory_space<vmem>>, vector<1x16xf32>,
      %parallel_loop3A_163 = arith.index_cast %parallel_loop3A_45 : i32 to index
      %parallel_loop3A_164 = arith.constant 208 : index
      %parallel_loop3A_165 = tpu.vector_load %arg5[%parallel_loop3A_163, %parallel_loop3A_164] {strides = array<i32>} : memref<32x768xf32, #tpu.memory_space<vmem>>, vector<1x16xf32>,
      %parallel_loop3A_166 = vector.shape_cast %parallel_loop3A_165 : vector<1x16xf32> to vector<16xf32>
      %parallel_loop3A_167 = arith.index_cast %parallel_loop3A_45 : i32 to index
      %parallel_loop3A_168 = arith.constant 208 : index
      %parallel_loop3A_169 = tpu.vector_load %arg6[%parallel_loop3A_167, %parallel_loop3A_168] {strides = array<i32>} : memref<32x768xf32, #tpu.memory_space<vmem>>, vector<1x16xf32>,
      %parallel_loop3A_170 = vector.shape_cast %parallel_loop3A_169 : vector<1x16xf32> to vector<16xf32>
      %parallel_loop3A_171 = vector.shape_cast %parallel_loop3A_166 : vector<16xf32> to vector<1x16xf32>
      tpu.vector_store %arg6[%parallel_loop3A_167, %parallel_loop3A_168], %parallel_loop3A_171 {add = true, strides = array<i32>} : memref<32x768xf32, #tpu.memory_space<vmem>>, vector<1x16xf32>,
      %parallel_loop3A_172 = arith.index_cast %parallel_loop3A_45 : i32 to index
      %parallel_loop3A_173 = arith.constant 224 : index
      %parallel_loop3A_174 = tpu.vector_load %arg5[%parallel_loop3A_172, %parallel_loop3A_173] {strides = array<i32>} : memref<32x768xf32, #tpu.memory_space<vmem>>, vector<1x16xf32>,
      %parallel_loop3A_175 = vector.shape_cast %parallel_loop3A_174 : vector<1x16xf32> to vector<16xf32>
      %parallel_loop3A_176 = arith.index_cast %parallel_loop3A_45 : i32 to index
      %parallel_loop3A_177 = arith.constant 224 : index
      %parallel_loop3A_178 = tpu.vector_load %arg6[%parallel_loop3A_176, %parallel_loop3A_177] {strides = array<i32>} : memref<32x768xf32, #tpu.memory_space<vmem>>, vector<1x16xf32>,
      %parallel_loop3A_179 = vector.shape_cast %parallel_loop3A_178 : vector<1x16xf32> to vector<16xf32>
      %parallel_loop3A_180 = vector.shape_cast %parallel_loop3A_175 : vector<16xf32> to vector<1x16xf32>
      tpu.vector_store %arg6[%parallel_loop3A_176, %parallel_loop3A_177], %parallel_loop3A_180 {add = true, strides = array<i32>} : memref<32x768xf32, #tpu.memory_space<vmem>>, vector<1x16xf32>,
      %parallel_loop3A_181 = arith.index_cast %parallel_loop3A_45 : i32 to index
      %parallel_loop3A_182 = arith.constant 240 : index
      %parallel_loop3A_183 = tpu.vector_load %arg5[%parallel_loop3A_181, %parallel_loop3A_182] {strides = array<i32>} : memref<32x768xf32, #tpu.memory_space<vmem>>, vector<1x16xf32>,
      %parallel_loop3A_184 = vector.shape_cast %parallel_loop3A_183 : vector<1x16xf32> to vector<16xf32>
      %parallel_loop3A_185 = arith.index_cast %parallel_loop3A_45 : i32 to index
      %parallel_loop3A_186 = arith.constant 240 : index
      %parallel_loop3A_187 = tpu.vector_load %arg6[%parallel_loop3A_185, %parallel_loop3A_186] {strides = array<i32>} : memref<32x768xf32, #tpu.memory_space<vmem>>, vector<1x16xf32>,
      %parallel_loop3A_188 = vector.shape_cast %parallel_loop3A_187 : vector<1x16xf32> to vector<16xf32>
      %parallel_loop3A_189 = vector.shape_cast %parallel_loop3A_184 : vector<16xf32> to vector<1x16xf32>
      tpu.vector_store %arg6[%parallel_loop3A_185, %parallel_loop3A_186], %parallel_loop3A_189 {add = true, strides = array<i32>} : memref<32x768xf32, #tpu.memory_space<vmem>>, vector<1x16xf32>,
      %parallel_loop3A_190 = arith.index_cast %parallel_loop3A_45 : i32 to index
      %parallel_loop3A_191 = arith.constant 256 : index
      %parallel_loop3A_192 = tpu.vector_load %arg5[%parallel_loop3A_190, %parallel_loop3A_191] {strides = array<i32>} : memref<32x768xf32, #tpu.memory_space<vmem>>, vector<1x16xf32>,
      %parallel_loop3A_193 = vector.shape_cast %parallel_loop3A_192 : vector<1x16xf32> to vector<16xf32>
      %parallel_loop3A_194 = arith.index_cast %parallel_loop3A_45 : i32 to index
      %parallel_loop3A_195 = arith.constant 256 : index
      %parallel_loop3A_196 = tpu.vector_load %arg6[%parallel_loop3A_194, %parallel_loop3A_195] {strides = array<i32>} : memref<32x768xf32, #tpu.memory_space<vmem>>, vector<1x16xf32>,
      %parallel_loop3A_197 = vector.shape_cast %parallel_loop3A_196 : vector<1x16xf32> to vector<16xf32>
      %parallel_loop3A_198 = vector.shape_cast %parallel_loop3A_193 : vector<16xf32> to vector<1x16xf32>
      tpu.vector_store %arg6[%parallel_loop3A_194, %parallel_loop3A_195], %parallel_loop3A_198 {add = true, strides = array<i32>} : memref<32x768xf32, #tpu.memory_space<vmem>>, vector<1x16xf32>,
      %parallel_loop3A_199 = arith.index_cast %parallel_loop3A_45 : i32 to index
      %parallel_loop3A_200 = arith.constant 272 : index
      %parallel_loop3A_201 = tpu.vector_load %arg5[%parallel_loop3A_199, %parallel_loop3A_200] {strides = array<i32>} : memref<32x768xf32, #tpu.memory_space<vmem>>, vector<1x16xf32>,
      %parallel_loop3A_202 = vector.shape_cast %parallel_loop3A_201 : vector<1x16xf32> to vector<16xf32>
      %parallel_loop3A_203 = arith.index_cast %parallel_loop3A_45 : i32 to index
      %parallel_loop3A_204 = arith.constant 272 : index
      %parallel_loop3A_205 = tpu.vector_load %arg6[%parallel_loop3A_203, %parallel_loop3A_204] {strides = array<i32>} : memref<32x768xf32, #tpu.memory_space<vmem>>, vector<1x16xf32>,
      %parallel_loop3A_206 = vector.shape_cast %parallel_loop3A_205 : vector<1x16xf32> to vector<16xf32>
      %parallel_loop3A_207 = vector.shape_cast %parallel_loop3A_202 : vector<16xf32> to vector<1x16xf32>
      tpu.vector_store %arg6[%parallel_loop3A_203, %parallel_loop3A_204], %parallel_loop3A_207 {add = true, strides = array<i32>} : memref<32x768xf32, #tpu.memory_space<vmem>>, vector<1x16xf32>,
      %parallel_loop3A_208 = arith.index_cast %parallel_loop3A_45 : i32 to index
      %parallel_loop3A_209 = arith.constant 288 : index
      %parallel_loop3A_210 = tpu.vector_load %arg5[%parallel_loop3A_208, %parallel_loop3A_209] {strides = array<i32>} : memref<32x768xf32, #tpu.memory_space<vmem>>, vector<1x16xf32>,
      %parallel_loop3A_211 = vector.shape_cast %parallel_loop3A_210 : vector<1x16xf32> to vector<16xf32>
      %parallel_loop3A_212 = arith.index_cast %parallel_loop3A_45 : i32 to index
      %parallel_loop3A_213 = arith.constant 288 : index
      %parallel_loop3A_214 = tpu.vector_load %arg6[%parallel_loop3A_212, %parallel_loop3A_213] {strides = array<i32>} : memref<32x768xf32, #tpu.memory_space<vmem>>, vector<1x16xf32>,
      %parallel_loop3A_215 = vector.shape_cast %parallel_loop3A_214 : vector<1x16xf32> to vector<16xf32>
      %parallel_loop3A_216 = vector.shape_cast %parallel_loop3A_211 : vector<16xf32> to vector<1x16xf32>
      tpu.vector_store %arg6[%parallel_loop3A_212, %parallel_loop3A_213], %parallel_loop3A_216 {add = true, strides = array<i32>} : memref<32x768xf32, #tpu.memory_space<vmem>>, vector<1x16xf32>,
      %parallel_loop3A_217 = arith.index_cast %parallel_loop3A_45 : i32 to index
      %parallel_loop3A_218 = arith.constant 304 : index
      %parallel_loop3A_219 = tpu.vector_load %arg5[%parallel_loop3A_217, %parallel_loop3A_218] {strides = array<i32>} : memref<32x768xf32, #tpu.memory_space<vmem>>, vector<1x16xf32>,
      %parallel_loop3A_220 = vector.shape_cast %parallel_loop3A_219 : vector<1x16xf32> to vector<16xf32>
      %parallel_loop3A_221 = arith.index_cast %parallel_loop3A_45 : i32 to index
      %parallel_loop3A_222 = arith.constant 304 : index
      %parallel_loop3A_223 = tpu.vector_load %arg6[%parallel_loop3A_221, %parallel_loop3A_222] {strides = array<i32>} : memref<32x768xf32, #tpu.memory_space<vmem>>, vector<1x16xf32>,
      %parallel_loop3A_224 = vector.shape_cast %parallel_loop3A_223 : vector<1x16xf32> to vector<16xf32>
      %parallel_loop3A_225 = vector.shape_cast %parallel_loop3A_220 : vector<16xf32> to vector<1x16xf32>
      tpu.vector_store %arg6[%parallel_loop3A_221, %parallel_loop3A_222], %parallel_loop3A_225 {add = true, strides = array<i32>} : memref<32x768xf32, #tpu.memory_space<vmem>>, vector<1x16xf32>,
      %parallel_loop3A_226 = arith.index_cast %parallel_loop3A_45 : i32 to index
      %parallel_loop3A_227 = arith.constant 320 : index
      %parallel_loop3A_228 = tpu.vector_load %arg5[%parallel_loop3A_226, %parallel_loop3A_227] {strides = array<i32>} : memref<32x768xf32, #tpu.memory_space<vmem>>, vector<1x16xf32>,
      %parallel_loop3A_229 = vector.shape_cast %parallel_loop3A_228 : vector<1x16xf32> to vector<16xf32>
      %parallel_loop3A_230 = arith.index_cast %parallel_loop3A_45 : i32 to index
      %parallel_loop3A_231 = arith.constant 320 : index
      %parallel_loop3A_232 = tpu.vector_load %arg6[%parallel_loop3A_230, %parallel_loop3A_231] {strides = array<i32>} : memref<32x768xf32, #tpu.memory_space<vmem>>, vector<1x16xf32>,
      %parallel_loop3A_233 = vector.shape_cast %parallel_loop3A_232 : vector<1x16xf32> to vector<16xf32>
      %parallel_loop3A_234 = vector.shape_cast %parallel_loop3A_229 : vector<16xf32> to vector<1x16xf32>
      tpu.vector_store %arg6[%parallel_loop3A_230, %parallel_loop3A_231], %parallel_loop3A_234 {add = true, strides = array<i32>} : memref<32x768xf32, #tpu.memory_space<vmem>>, vector<1x16xf32>,
      %parallel_loop3A_235 = arith.index_cast %parallel_loop3A_45 : i32 to index
      %parallel_loop3A_236 = arith.constant 336 : index
      %parallel_loop3A_237 = tpu.vector_load %arg5[%parallel_loop3A_235, %parallel_loop3A_236] {strides = array<i32>} : memref<32x768xf32, #tpu.memory_space<vmem>>, vector<1x16xf32>,
      %parallel_loop3A_238 = vector.shape_cast %parallel_loop3A_237 : vector<1x16xf32> to vector<16xf32>
      %parallel_loop3A_239 = arith.index_cast %parallel_loop3A_45 : i32 to index
      %parallel_loop3A_240 = arith.constant 336 : index
      %parallel_loop3A_241 = tpu.vector_load %arg6[%parallel_loop3A_239, %parallel_loop3A_240] {strides = array<i32>} : memref<32x768xf32, #tpu.memory_space<vmem>>, vector<1x16xf32>,
      %parallel_loop3A_242 = vector.shape_cast %parallel_loop3A_241 : vector<1x16xf32> to vector<16xf32>
      %parallel_loop3A_243 = vector.shape_cast %parallel_loop3A_238 : vector<16xf32> to vector<1x16xf32>
      tpu.vector_store %arg6[%parallel_loop3A_239, %parallel_loop3A_240], %parallel_loop3A_243 {add = true, strides = array<i32>} : memref<32x768xf32, #tpu.memory_space<vmem>>, vector<1x16xf32>,
      %parallel_loop3A_244 = arith.index_cast %parallel_loop3A_45 : i32 to index
      %parallel_loop3A_245 = arith.constant 352 : index
      %parallel_loop3A_246 = tpu.vector_load %arg5[%parallel_loop3A_244, %parallel_loop3A_245] {strides = array<i32>} : memref<32x768xf32, #tpu.memory_space<vmem>>, vector<1x16xf32>,
      %parallel_loop3A_247 = vector.shape_cast %parallel_loop3A_246 : vector<1x16xf32> to vector<16xf32>
      %parallel_loop3A_248 = arith.index_cast %parallel_loop3A_45 : i32 to index
      %parallel_loop3A_249 = arith.constant 352 : index
      %parallel_loop3A_250 = tpu.vector_load %arg6[%parallel_loop3A_248, %parallel_loop3A_249] {strides = array<i32>} : memref<32x768xf32, #tpu.memory_space<vmem>>, vector<1x16xf32>,
      %parallel_loop3A_251 = vector.shape_cast %parallel_loop3A_250 : vector<1x16xf32> to vector<16xf32>
      %parallel_loop3A_252 = vector.shape_cast %parallel_loop3A_247 : vector<16xf32> to vector<1x16xf32>
      tpu.vector_store %arg6[%parallel_loop3A_248, %parallel_loop3A_249], %parallel_loop3A_252 {add = true, strides = array<i32>} : memref<32x768xf32, #tpu.memory_space<vmem>>, vector<1x16xf32>,
      %parallel_loop3A_253 = arith.index_cast %parallel_loop3A_45 : i32 to index
      %parallel_loop3A_254 = arith.constant 368 : index
      %parallel_loop3A_255 = tpu.vector_load %arg5[%parallel_loop3A_253, %parallel_loop3A_254] {strides = array<i32>} : memref<32x768xf32, #tpu.memory_space<vmem>>, vector<1x16xf32>,
      %parallel_loop3A_256 = vector.shape_cast %parallel_loop3A_255 : vector<1x16xf32> to vector<16xf32>
      %parallel_loop3A_257 = arith.index_cast %parallel_loop3A_45 : i32 to index
      %parallel_loop3A_258 = arith.constant 368 : index
      %parallel_loop3A_259 = tpu.vector_load %arg6[%parallel_loop3A_257, %parallel_loop3A_258] {strides = array<i32>} : memref<32x768xf32, #tpu.memory_space<vmem>>, vector<1x16xf32>,
      %parallel_loop3A_260 = vector.shape_cast %parallel_loop3A_259 : vector<1x16xf32> to vector<16xf32>
      %parallel_loop3A_261 = vector.shape_cast %parallel_loop3A_256 : vector<16xf32> to vector<1x16xf32>
      tpu.vector_store %arg6[%parallel_loop3A_257, %parallel_loop3A_258], %parallel_loop3A_261 {add = true, strides = array<i32>} : memref<32x768xf32, #tpu.memory_space<vmem>>, vector<1x16xf32>,
      %parallel_loop3A_262 = arith.index_cast %parallel_loop3A_45 : i32 to index
      %parallel_loop3A_263 = arith.constant 384 : index
      %parallel_loop3A_264 = tpu.vector_load %arg5[%parallel_loop3A_262, %parallel_loop3A_263] {strides = array<i32>} : memref<32x768xf32, #tpu.memory_space<vmem>>, vector<1x16xf32>,
      %parallel_loop3A_265 = vector.shape_cast %parallel_loop3A_264 : vector<1x16xf32> to vector<16xf32>
      %parallel_loop3A_266 = arith.index_cast %parallel_loop3A_45 : i32 to index
      %parallel_loop3A_267 = arith.constant 384 : index
      %parallel_loop3A_268 = tpu.vector_load %arg6[%parallel_loop3A_266, %parallel_loop3A_267] {strides = array<i32>} : memref<32x768xf32, #tpu.memory_space<vmem>>, vector<1x16xf32>,
      %parallel_loop3A_269 = vector.shape_cast %parallel_loop3A_268 : vector<1x16xf32> to vector<16xf32>
      %parallel_loop3A_270 = vector.shape_cast %parallel_loop3A_265 : vector<16xf32> to vector<1x16xf32>
      tpu.vector_store %arg6[%parallel_loop3A_266, %parallel_loop3A_267], %parallel_loop3A_270 {add = true, strides = array<i32>} : memref<32x768xf32, #tpu.memory_space<vmem>>, vector<1x16xf32>,
      %parallel_loop3A_271 = arith.index_cast %parallel_loop3A_45 : i32 to index
      %parallel_loop3A_272 = arith.constant 400 : index
      %parallel_loop3A_273 = tpu.vector_load %arg5[%parallel_loop3A_271, %parallel_loop3A_272] {strides = array<i32>} : memref<32x768xf32, #tpu.memory_space<vmem>>, vector<1x16xf32>,
      %parallel_loop3A_274 = vector.shape_cast %parallel_loop3A_273 : vector<1x16xf32> to vector<16xf32>
      %parallel_loop3A_275 = arith.index_cast %parallel_loop3A_45 : i32 to index
      %parallel_loop3A_276 = arith.constant 400 : index
      %parallel_loop3A_277 = tpu.vector_load %arg6[%parallel_loop3A_275, %parallel_loop3A_276] {strides = array<i32>} : memref<32x768xf32, #tpu.memory_space<vmem>>, vector<1x16xf32>,
      %parallel_loop3A_278 = vector.shape_cast %parallel_loop3A_277 : vector<1x16xf32> to vector<16xf32>
      %parallel_loop3A_279 = vector.shape_cast %parallel_loop3A_274 : vector<16xf32> to vector<1x16xf32>
      tpu.vector_store %arg6[%parallel_loop3A_275, %parallel_loop3A_276], %parallel_loop3A_279 {add = true, strides = array<i32>} : memref<32x768xf32, #tpu.memory_space<vmem>>, vector<1x16xf32>,
      %parallel_loop3A_280 = arith.index_cast %parallel_loop3A_45 : i32 to index
      %parallel_loop3A_281 = arith.constant 416 : index
      %parallel_loop3A_282 = tpu.vector_load %arg5[%parallel_loop3A_280, %parallel_loop3A_281] {strides = array<i32>} : memref<32x768xf32, #tpu.memory_space<vmem>>, vector<1x16xf32>,
      %parallel_loop3A_283 = vector.shape_cast %parallel_loop3A_282 : vector<1x16xf32> to vector<16xf32>
      %parallel_loop3A_284 = arith.index_cast %parallel_loop3A_45 : i32 to index
      %parallel_loop3A_285 = arith.constant 416 : index
      %parallel_loop3A_286 = tpu.vector_load %arg6[%parallel_loop3A_284, %parallel_loop3A_285] {strides = array<i32>} : memref<32x768xf32, #tpu.memory_space<vmem>>, vector<1x16xf32>,
      %parallel_loop3A_287 = vector.shape_cast %parallel_loop3A_286 : vector<1x16xf32> to vector<16xf32>
      %parallel_loop3A_288 = vector.shape_cast %parallel_loop3A_283 : vector<16xf32> to vector<1x16xf32>
      tpu.vector_store %arg6[%parallel_loop3A_284, %parallel_loop3A_285], %parallel_loop3A_288 {add = true, strides = array<i32>} : memref<32x768xf32, #tpu.memory_space<vmem>>, vector<1x16xf32>,
      %parallel_loop3A_289 = arith.index_cast %parallel_loop3A_45 : i32 to index
      %parallel_loop3A_290 = arith.constant 432 : index
      %parallel_loop3A_291 = tpu.vector_load %arg5[%parallel_loop3A_289, %parallel_loop3A_290] {strides = array<i32>} : memref<32x768xf32, #tpu.memory_space<vmem>>, vector<1x16xf32>,
      %parallel_loop3A_292 = vector.shape_cast %parallel_loop3A_291 : vector<1x16xf32> to vector<16xf32>
      %parallel_loop3A_293 = arith.index_cast %parallel_loop3A_45 : i32 to index
      %parallel_loop3A_294 = arith.constant 432 : index
      %parallel_loop3A_295 = tpu.vector_load %arg6[%parallel_loop3A_293, %parallel_loop3A_294] {strides = array<i32>} : memref<32x768xf32, #tpu.memory_space<vmem>>, vector<1x16xf32>,
      %parallel_loop3A_296 = vector.shape_cast %parallel_loop3A_295 : vector<1x16xf32> to vector<16xf32>
      %parallel_loop3A_297 = vector.shape_cast %parallel_loop3A_292 : vector<16xf32> to vector<1x16xf32>
      tpu.vector_store %arg6[%parallel_loop3A_293, %parallel_loop3A_294], %parallel_loop3A_297 {add = true, strides = array<i32>} : memref<32x768xf32, #tpu.memory_space<vmem>>, vector<1x16xf32>,
      %parallel_loop3A_298 = arith.index_cast %parallel_loop3A_45 : i32 to index
      %parallel_loop3A_299 = arith.constant 448 : index
      %parallel_loop3A_300 = tpu.vector_load %arg5[%parallel_loop3A_298, %parallel_loop3A_299] {strides = array<i32>} : memref<32x768xf32, #tpu.memory_space<vmem>>, vector<1x16xf32>,
      %parallel_loop3A_301 = vector.shape_cast %parallel_loop3A_300 : vector<1x16xf32> to vector<16xf32>
      %parallel_loop3A_302 = arith.index_cast %parallel_loop3A_45 : i32 to index
      %parallel_loop3A_303 = arith.constant 448 : index
      %parallel_loop3A_304 = tpu.vector_load %arg6[%parallel_loop3A_302, %parallel_loop3A_303] {strides = array<i32>} : memref<32x768xf32, #tpu.memory_space<vmem>>, vector<1x16xf32>,
      %parallel_loop3A_305 = vector.shape_cast %parallel_loop3A_304 : vector<1x16xf32> to vector<16xf32>
      %parallel_loop3A_306 = vector.shape_cast %parallel_loop3A_301 : vector<16xf32> to vector<1x16xf32>
      tpu.vector_store %arg6[%parallel_loop3A_302, %parallel_loop3A_303], %parallel_loop3A_306 {add = true, strides = array<i32>} : memref<32x768xf32, #tpu.memory_space<vmem>>, vector<1x16xf32>,
      %parallel_loop3A_307 = arith.index_cast %parallel_loop3A_45 : i32 to index
      %parallel_loop3A_308 = arith.constant 464 : index
      %parallel_loop3A_309 = tpu.vector_load %arg5[%parallel_loop3A_307, %parallel_loop3A_308] {strides = array<i32>} : memref<32x768xf32, #tpu.memory_space<vmem>>, vector<1x16xf32>,
      %parallel_loop3A_310 = vector.shape_cast %parallel_loop3A_309 : vector<1x16xf32> to vector<16xf32>
      %parallel_loop3A_311 = arith.index_cast %parallel_loop3A_45 : i32 to index
      %parallel_loop3A_312 = arith.constant 464 : index
      %parallel_loop3A_313 = tpu.vector_load %arg6[%parallel_loop3A_311, %parallel_loop3A_312] {strides = array<i32>} : memref<32x768xf32, #tpu.memory_space<vmem>>, vector<1x16xf32>,
      %parallel_loop3A_314 = vector.shape_cast %parallel_loop3A_313 : vector<1x16xf32> to vector<16xf32>
      %parallel_loop3A_315 = vector.shape_cast %parallel_loop3A_310 : vector<16xf32> to vector<1x16xf32>
      tpu.vector_store %arg6[%parallel_loop3A_311, %parallel_loop3A_312], %parallel_loop3A_315 {add = true, strides = array<i32>} : memref<32x768xf32, #tpu.memory_space<vmem>>, vector<1x16xf32>,
      %parallel_loop3A_316 = arith.index_cast %parallel_loop3A_45 : i32 to index
      %parallel_loop3A_317 = arith.constant 480 : index
      %parallel_loop3A_318 = tpu.vector_load %arg5[%parallel_loop3A_316, %parallel_loop3A_317] {strides = array<i32>} : memref<32x768xf32, #tpu.memory_space<vmem>>, vector<1x16xf32>,
      %parallel_loop3A_319 = vector.shape_cast %parallel_loop3A_318 : vector<1x16xf32> to vector<16xf32>
      %parallel_loop3A_320 = arith.index_cast %parallel_loop3A_45 : i32 to index
      %parallel_loop3A_321 = arith.constant 480 : index
      %parallel_loop3A_322 = tpu.vector_load %arg6[%parallel_loop3A_320, %parallel_loop3A_321] {strides = array<i32>} : memref<32x768xf32, #tpu.memory_space<vmem>>, vector<1x16xf32>,
      %parallel_loop3A_323 = vector.shape_cast %parallel_loop3A_322 : vector<1x16xf32> to vector<16xf32>
      %parallel_loop3A_324 = vector.shape_cast %parallel_loop3A_319 : vector<16xf32> to vector<1x16xf32>
      tpu.vector_store %arg6[%parallel_loop3A_320, %parallel_loop3A_321], %parallel_loop3A_324 {add = true, strides = array<i32>} : memref<32x768xf32, #tpu.memory_space<vmem>>, vector<1x16xf32>,
      %parallel_loop3A_325 = arith.index_cast %parallel_loop3A_45 : i32 to index
      %parallel_loop3A_326 = arith.constant 496 : index
      %parallel_loop3A_327 = tpu.vector_load %arg5[%parallel_loop3A_325, %parallel_loop3A_326] {strides = array<i32>} : memref<32x768xf32, #tpu.memory_space<vmem>>, vector<1x16xf32>,
      %parallel_loop3A_328 = vector.shape_cast %parallel_loop3A_327 : vector<1x16xf32> to vector<16xf32>
      %parallel_loop3A_329 = arith.index_cast %parallel_loop3A_45 : i32 to index
      %parallel_loop3A_330 = arith.constant 496 : index
      %parallel_loop3A_331 = tpu.vector_load %arg6[%parallel_loop3A_329, %parallel_loop3A_330] {strides = array<i32>} : memref<32x768xf32, #tpu.memory_space<vmem>>, vector<1x16xf32>,
      %parallel_loop3A_332 = vector.shape_cast %parallel_loop3A_331 : vector<1x16xf32> to vector<16xf32>
      %parallel_loop3A_333 = vector.shape_cast %parallel_loop3A_328 : vector<16xf32> to vector<1x16xf32>
      tpu.vector_store %arg6[%parallel_loop3A_329, %parallel_loop3A_330], %parallel_loop3A_333 {add = true, strides = array<i32>} : memref<32x768xf32, #tpu.memory_space<vmem>>, vector<1x16xf32>,
      %parallel_loop3A_334 = arith.index_cast %parallel_loop3A_45 : i32 to index
      %parallel_loop3A_335 = arith.constant 512 : index
      %parallel_loop3A_336 = tpu.vector_load %arg5[%parallel_loop3A_334, %parallel_loop3A_335] {strides = array<i32>} : memref<32x768xf32, #tpu.memory_space<vmem>>, vector<1x16xf32>,
      %parallel_loop3A_337 = vector.shape_cast %parallel_loop3A_336 : vector<1x16xf32> to vector<16xf32>
      %parallel_loop3A_338 = arith.index_cast %parallel_loop3A_45 : i32 to index
      %parallel_loop3A_339 = arith.constant 512 : index
      %parallel_loop3A_340 = tpu.vector_load %arg6[%parallel_loop3A_338, %parallel_loop3A_339] {strides = array<i32>} : memref<32x768xf32, #tpu.memory_space<vmem>>, vector<1x16xf32>,
      %parallel_loop3A_341 = vector.shape_cast %parallel_loop3A_340 : vector<1x16xf32> to vector<16xf32>
      %parallel_loop3A_342 = vector.shape_cast %parallel_loop3A_337 : vector<16xf32> to vector<1x16xf32>
      tpu.vector_store %arg6[%parallel_loop3A_338, %parallel_loop3A_339], %parallel_loop3A_342 {add = true, strides = array<i32>} : memref<32x768xf32, #tpu.memory_space<vmem>>, vector<1x16xf32>,
      %parallel_loop3A_343 = arith.index_cast %parallel_loop3A_45 : i32 to index
      %parallel_loop3A_344 = arith.constant 528 : index
      %parallel_loop3A_345 = tpu.vector_load %arg5[%parallel_loop3A_343, %parallel_loop3A_344] {strides = array<i32>} : memref<32x768xf32, #tpu.memory_space<vmem>>, vector<1x16xf32>,
      %parallel_loop3A_346 = vector.shape_cast %parallel_loop3A_345 : vector<1x16xf32> to vector<16xf32>
      %parallel_loop3A_347 = arith.index_cast %parallel_loop3A_45 : i32 to index
      %parallel_loop3A_348 = arith.constant 528 : index
      %parallel_loop3A_349 = tpu.vector_load %arg6[%parallel_loop3A_347, %parallel_loop3A_348] {strides = array<i32>} : memref<32x768xf32, #tpu.memory_space<vmem>>, vector<1x16xf32>,
      %parallel_loop3A_350 = vector.shape_cast %parallel_loop3A_349 : vector<1x16xf32> to vector<16xf32>
      %parallel_loop3A_351 = vector.shape_cast %parallel_loop3A_346 : vector<16xf32> to vector<1x16xf32>
      tpu.vector_store %arg6[%parallel_loop3A_347, %parallel_loop3A_348], %parallel_loop3A_351 {add = true, strides = array<i32>} : memref<32x768xf32, #tpu.memory_space<vmem>>, vector<1x16xf32>,
      %parallel_loop3A_352 = arith.index_cast %parallel_loop3A_45 : i32 to index
      %parallel_loop3A_353 = arith.constant 544 : index
      %parallel_loop3A_354 = tpu.vector_load %arg5[%parallel_loop3A_352, %parallel_loop3A_353] {strides = array<i32>} : memref<32x768xf32, #tpu.memory_space<vmem>>, vector<1x16xf32>,
      %parallel_loop3A_355 = vector.shape_cast %parallel_loop3A_354 : vector<1x16xf32> to vector<16xf32>
      %parallel_loop3A_356 = arith.index_cast %parallel_loop3A_45 : i32 to index
      %parallel_loop3A_357 = arith.constant 544 : index
      %parallel_loop3A_358 = tpu.vector_load %arg6[%parallel_loop3A_356, %parallel_loop3A_357] {strides = array<i32>} : memref<32x768xf32, #tpu.memory_space<vmem>>, vector<1x16xf32>,
      %parallel_loop3A_359 = vector.shape_cast %parallel_loop3A_358 : vector<1x16xf32> to vector<16xf32>
      %parallel_loop3A_360 = vector.shape_cast %parallel_loop3A_355 : vector<16xf32> to vector<1x16xf32>
      tpu.vector_store %arg6[%parallel_loop3A_356, %parallel_loop3A_357], %parallel_loop3A_360 {add = true, strides = array<i32>} : memref<32x768xf32, #tpu.memory_space<vmem>>, vector<1x16xf32>,
      %parallel_loop3A_361 = arith.index_cast %parallel_loop3A_45 : i32 to index
      %parallel_loop3A_362 = arith.constant 560 : index
      %parallel_loop3A_363 = tpu.vector_load %arg5[%parallel_loop3A_361, %parallel_loop3A_362] {strides = array<i32>} : memref<32x768xf32, #tpu.memory_space<vmem>>, vector<1x16xf32>,
      %parallel_loop3A_364 = vector.shape_cast %parallel_loop3A_363 : vector<1x16xf32> to vector<16xf32>
      %parallel_loop3A_365 = arith.index_cast %parallel_loop3A_45 : i32 to index
      %parallel_loop3A_366 = arith.constant 560 : index
      %parallel_loop3A_367 = tpu.vector_load %arg6[%parallel_loop3A_365, %parallel_loop3A_366] {strides = array<i32>} : memref<32x768xf32, #tpu.memory_space<vmem>>, vector<1x16xf32>,
      %parallel_loop3A_368 = vector.shape_cast %parallel_loop3A_367 : vector<1x16xf32> to vector<16xf32>
      %parallel_loop3A_369 = vector.shape_cast %parallel_loop3A_364 : vector<16xf32> to vector<1x16xf32>
      tpu.vector_store %arg6[%parallel_loop3A_365, %parallel_loop3A_366], %parallel_loop3A_369 {add = true, strides = array<i32>} : memref<32x768xf32, #tpu.memory_space<vmem>>, vector<1x16xf32>,
      %parallel_loop3A_370 = arith.index_cast %parallel_loop3A_45 : i32 to index
      %parallel_loop3A_371 = arith.constant 576 : index
      %parallel_loop3A_372 = tpu.vector_load %arg5[%parallel_loop3A_370, %parallel_loop3A_371] {strides = array<i32>} : memref<32x768xf32, #tpu.memory_space<vmem>>, vector<1x16xf32>,
      %parallel_loop3A_373 = vector.shape_cast %parallel_loop3A_372 : vector<1x16xf32> to vector<16xf32>
      %parallel_loop3A_374 = arith.index_cast %parallel_loop3A_45 : i32 to index
      %parallel_loop3A_375 = arith.constant 576 : index
      %parallel_loop3A_376 = tpu.vector_load %arg6[%parallel_loop3A_374, %parallel_loop3A_375] {strides = array<i32>} : memref<32x768xf32, #tpu.memory_space<vmem>>, vector<1x16xf32>,
      %parallel_loop3A_377 = vector.shape_cast %parallel_loop3A_376 : vector<1x16xf32> to vector<16xf32>
      %parallel_loop3A_378 = vector.shape_cast %parallel_loop3A_373 : vector<16xf32> to vector<1x16xf32>
      tpu.vector_store %arg6[%parallel_loop3A_374, %parallel_loop3A_375], %parallel_loop3A_378 {add = true, strides = array<i32>} : memref<32x768xf32, #tpu.memory_space<vmem>>, vector<1x16xf32>,
      %parallel_loop3A_379 = arith.index_cast %parallel_loop3A_45 : i32 to index
      %parallel_loop3A_380 = arith.constant 592 : index
      %parallel_loop3A_381 = tpu.vector_load %arg5[%parallel_loop3A_379, %parallel_loop3A_380] {strides = array<i32>} : memref<32x768xf32, #tpu.memory_space<vmem>>, vector<1x16xf32>,
      %parallel_loop3A_382 = vector.shape_cast %parallel_loop3A_381 : vector<1x16xf32> to vector<16xf32>
      %parallel_loop3A_383 = arith.index_cast %parallel_loop3A_45 : i32 to index
      %parallel_loop3A_384 = arith.constant 592 : index
      %parallel_loop3A_385 = tpu.vector_load %arg6[%parallel_loop3A_383, %parallel_loop3A_384] {strides = array<i32>} : memref<32x768xf32, #tpu.memory_space<vmem>>, vector<1x16xf32>,
      %parallel_loop3A_386 = vector.shape_cast %parallel_loop3A_385 : vector<1x16xf32> to vector<16xf32>
      %parallel_loop3A_387 = vector.shape_cast %parallel_loop3A_382 : vector<16xf32> to vector<1x16xf32>
      tpu.vector_store %arg6[%parallel_loop3A_383, %parallel_loop3A_384], %parallel_loop3A_387 {add = true, strides = array<i32>} : memref<32x768xf32, #tpu.memory_space<vmem>>, vector<1x16xf32>,
      %parallel_loop3A_388 = arith.index_cast %parallel_loop3A_45 : i32 to index
      %parallel_loop3A_389 = arith.constant 608 : index
      %parallel_loop3A_390 = tpu.vector_load %arg5[%parallel_loop3A_388, %parallel_loop3A_389] {strides = array<i32>} : memref<32x768xf32, #tpu.memory_space<vmem>>, vector<1x16xf32>,
      %parallel_loop3A_391 = vector.shape_cast %parallel_loop3A_390 : vector<1x16xf32> to vector<16xf32>
      %parallel_loop3A_392 = arith.index_cast %parallel_loop3A_45 : i32 to index
      %parallel_loop3A_393 = arith.constant 608 : index
      %parallel_loop3A_394 = tpu.vector_load %arg6[%parallel_loop3A_392, %parallel_loop3A_393] {strides = array<i32>} : memref<32x768xf32, #tpu.memory_space<vmem>>, vector<1x16xf32>,
      %parallel_loop3A_395 = vector.shape_cast %parallel_loop3A_394 : vector<1x16xf32> to vector<16xf32>
      %parallel_loop3A_396 = vector.shape_cast %parallel_loop3A_391 : vector<16xf32> to vector<1x16xf32>
      tpu.vector_store %arg6[%parallel_loop3A_392, %parallel_loop3A_393], %parallel_loop3A_396 {add = true, strides = array<i32>} : memref<32x768xf32, #tpu.memory_space<vmem>>, vector<1x16xf32>,
      %parallel_loop3A_397 = arith.index_cast %parallel_loop3A_45 : i32 to index
      %parallel_loop3A_398 = arith.constant 624 : index
      %parallel_loop3A_399 = tpu.vector_load %arg5[%parallel_loop3A_397, %parallel_loop3A_398] {strides = array<i32>} : memref<32x768xf32, #tpu.memory_space<vmem>>, vector<1x16xf32>,
      %parallel_loop3A_400 = vector.shape_cast %parallel_loop3A_399 : vector<1x16xf32> to vector<16xf32>
      %parallel_loop3A_401 = arith.index_cast %parallel_loop3A_45 : i32 to index
      %parallel_loop3A_402 = arith.constant 624 : index
      %parallel_loop3A_403 = tpu.vector_load %arg6[%parallel_loop3A_401, %parallel_loop3A_402] {strides = array<i32>} : memref<32x768xf32, #tpu.memory_space<vmem>>, vector<1x16xf32>,
      %parallel_loop3A_404 = vector.shape_cast %parallel_loop3A_403 : vector<1x16xf32> to vector<16xf32>
      %parallel_loop3A_405 = vector.shape_cast %parallel_loop3A_400 : vector<16xf32> to vector<1x16xf32>
      tpu.vector_store %arg6[%parallel_loop3A_401, %parallel_loop3A_402], %parallel_loop3A_405 {add = true, strides = array<i32>} : memref<32x768xf32, #tpu.memory_space<vmem>>, vector<1x16xf32>,
      %parallel_loop3A_406 = arith.index_cast %parallel_loop3A_45 : i32 to index
      %parallel_loop3A_407 = arith.constant 640 : index
      %parallel_loop3A_408 = tpu.vector_load %arg5[%parallel_loop3A_406, %parallel_loop3A_407] {strides = array<i32>} : memref<32x768xf32, #tpu.memory_space<vmem>>, vector<1x16xf32>,
      %parallel_loop3A_409 = vector.shape_cast %parallel_loop3A_408 : vector<1x16xf32> to vector<16xf32>
      %parallel_loop3A_410 = arith.index_cast %parallel_loop3A_45 : i32 to index
      %parallel_loop3A_411 = arith.constant 640 : index
      %parallel_loop3A_412 = tpu.vector_load %arg6[%parallel_loop3A_410, %parallel_loop3A_411] {strides = array<i32>} : memref<32x768xf32, #tpu.memory_space<vmem>>, vector<1x16xf32>,
      %parallel_loop3A_413 = vector.shape_cast %parallel_loop3A_412 : vector<1x16xf32> to vector<16xf32>
      %parallel_loop3A_414 = vector.shape_cast %parallel_loop3A_409 : vector<16xf32> to vector<1x16xf32>
      tpu.vector_store %arg6[%parallel_loop3A_410, %parallel_loop3A_411], %parallel_loop3A_414 {add = true, strides = array<i32>} : memref<32x768xf32, #tpu.memory_space<vmem>>, vector<1x16xf32>,
      %parallel_loop3A_415 = arith.index_cast %parallel_loop3A_45 : i32 to index
      %parallel_loop3A_416 = arith.constant 656 : index
      %parallel_loop3A_417 = tpu.vector_load %arg5[%parallel_loop3A_415, %parallel_loop3A_416] {strides = array<i32>} : memref<32x768xf32, #tpu.memory_space<vmem>>, vector<1x16xf32>,
      %parallel_loop3A_418 = vector.shape_cast %parallel_loop3A_417 : vector<1x16xf32> to vector<16xf32>
      %parallel_loop3A_419 = arith.index_cast %parallel_loop3A_45 : i32 to index
      %parallel_loop3A_420 = arith.constant 656 : index
      %parallel_loop3A_421 = tpu.vector_load %arg6[%parallel_loop3A_419, %parallel_loop3A_420] {strides = array<i32>} : memref<32x768xf32, #tpu.memory_space<vmem>>, vector<1x16xf32>,
      %parallel_loop3A_422 = vector.shape_cast %parallel_loop3A_421 : vector<1x16xf32> to vector<16xf32>
      %parallel_loop3A_423 = vector.shape_cast %parallel_loop3A_418 : vector<16xf32> to vector<1x16xf32>
      tpu.vector_store %arg6[%parallel_loop3A_419, %parallel_loop3A_420], %parallel_loop3A_423 {add = true, strides = array<i32>} : memref<32x768xf32, #tpu.memory_space<vmem>>, vector<1x16xf32>,
      %parallel_loop3A_424 = arith.index_cast %parallel_loop3A_45 : i32 to index
      %parallel_loop3A_425 = arith.constant 672 : index
      %parallel_loop3A_426 = tpu.vector_load %arg5[%parallel_loop3A_424, %parallel_loop3A_425] {strides = array<i32>} : memref<32x768xf32, #tpu.memory_space<vmem>>, vector<1x16xf32>,
      %parallel_loop3A_427 = vector.shape_cast %parallel_loop3A_426 : vector<1x16xf32> to vector<16xf32>
      %parallel_loop3A_428 = arith.index_cast %parallel_loop3A_45 : i32 to index
      %parallel_loop3A_429 = arith.constant 672 : index
      %parallel_loop3A_430 = tpu.vector_load %arg6[%parallel_loop3A_428, %parallel_loop3A_429] {strides = array<i32>} : memref<32x768xf32, #tpu.memory_space<vmem>>, vector<1x16xf32>,
      %parallel_loop3A_431 = vector.shape_cast %parallel_loop3A_430 : vector<1x16xf32> to vector<16xf32>
      %parallel_loop3A_432 = vector.shape_cast %parallel_loop3A_427 : vector<16xf32> to vector<1x16xf32>
      tpu.vector_store %arg6[%parallel_loop3A_428, %parallel_loop3A_429], %parallel_loop3A_432 {add = true, strides = array<i32>} : memref<32x768xf32, #tpu.memory_space<vmem>>, vector<1x16xf32>,
      %parallel_loop3A_433 = arith.index_cast %parallel_loop3A_45 : i32 to index
      %parallel_loop3A_434 = arith.constant 688 : index
      %parallel_loop3A_435 = tpu.vector_load %arg5[%parallel_loop3A_433, %parallel_loop3A_434] {strides = array<i32>} : memref<32x768xf32, #tpu.memory_space<vmem>>, vector<1x16xf32>,
      %parallel_loop3A_436 = vector.shape_cast %parallel_loop3A_435 : vector<1x16xf32> to vector<16xf32>
      %parallel_loop3A_437 = arith.index_cast %parallel_loop3A_45 : i32 to index
      %parallel_loop3A_438 = arith.constant 688 : index
      %parallel_loop3A_439 = tpu.vector_load %arg6[%parallel_loop3A_437, %parallel_loop3A_438] {strides = array<i32>} : memref<32x768xf32, #tpu.memory_space<vmem>>, vector<1x16xf32>,
      %parallel_loop3A_440 = vector.shape_cast %parallel_loop3A_439 : vector<1x16xf32> to vector<16xf32>
      %parallel_loop3A_441 = vector.shape_cast %parallel_loop3A_436 : vector<16xf32> to vector<1x16xf32>
      tpu.vector_store %arg6[%parallel_loop3A_437, %parallel_loop3A_438], %parallel_loop3A_441 {add = true, strides = array<i32>} : memref<32x768xf32, #tpu.memory_space<vmem>>, vector<1x16xf32>,
      %parallel_loop3A_442 = arith.index_cast %parallel_loop3A_45 : i32 to index
      %parallel_loop3A_443 = arith.constant 704 : index
      %parallel_loop3A_444 = tpu.vector_load %arg5[%parallel_loop3A_442, %parallel_loop3A_443] {strides = array<i32>} : memref<32x768xf32, #tpu.memory_space<vmem>>, vector<1x16xf32>,
      %parallel_loop3A_445 = vector.shape_cast %parallel_loop3A_444 : vector<1x16xf32> to vector<16xf32>
      %parallel_loop3A_446 = arith.index_cast %parallel_loop3A_45 : i32 to index
      %parallel_loop3A_447 = arith.constant 704 : index
      %parallel_loop3A_448 = tpu.vector_load %arg6[%parallel_loop3A_446, %parallel_loop3A_447] {strides = array<i32>} : memref<32x768xf32, #tpu.memory_space<vmem>>, vector<1x16xf32>,
      %parallel_loop3A_449 = vector.shape_cast %parallel_loop3A_448 : vector<1x16xf32> to vector<16xf32>
      %parallel_loop3A_450 = vector.shape_cast %parallel_loop3A_445 : vector<16xf32> to vector<1x16xf32>
      tpu.vector_store %arg6[%parallel_loop3A_446, %parallel_loop3A_447], %parallel_loop3A_450 {add = true, strides = array<i32>} : memref<32x768xf32, #tpu.memory_space<vmem>>, vector<1x16xf32>,
      %parallel_loop3A_451 = arith.index_cast %parallel_loop3A_45 : i32 to index
      %parallel_loop3A_452 = arith.constant 720 : index
      %parallel_loop3A_453 = tpu.vector_load %arg5[%parallel_loop3A_451, %parallel_loop3A_452] {strides = array<i32>} : memref<32x768xf32, #tpu.memory_space<vmem>>, vector<1x16xf32>,
      %parallel_loop3A_454 = vector.shape_cast %parallel_loop3A_453 : vector<1x16xf32> to vector<16xf32>
      %parallel_loop3A_455 = arith.index_cast %parallel_loop3A_45 : i32 to index
      %parallel_loop3A_456 = arith.constant 720 : index
      %parallel_loop3A_457 = tpu.vector_load %arg6[%parallel_loop3A_455, %parallel_loop3A_456] {strides = array<i32>} : memref<32x768xf32, #tpu.memory_space<vmem>>, vector<1x16xf32>,
      %parallel_loop3A_458 = vector.shape_cast %parallel_loop3A_457 : vector<1x16xf32> to vector<16xf32>
      %parallel_loop3A_459 = vector.shape_cast %parallel_loop3A_454 : vector<16xf32> to vector<1x16xf32>
      tpu.vector_store %arg6[%parallel_loop3A_455, %parallel_loop3A_456], %parallel_loop3A_459 {add = true, strides = array<i32>} : memref<32x768xf32, #tpu.memory_space<vmem>>, vector<1x16xf32>,
      %parallel_loop3A_460 = arith.index_cast %parallel_loop3A_45 : i32 to index
      %parallel_loop3A_461 = arith.constant 736 : index
      %parallel_loop3A_462 = tpu.vector_load %arg5[%parallel_loop3A_460, %parallel_loop3A_461] {strides = array<i32>} : memref<32x768xf32, #tpu.memory_space<vmem>>, vector<1x16xf32>,
      %parallel_loop3A_463 = vector.shape_cast %parallel_loop3A_462 : vector<1x16xf32> to vector<16xf32>
      %parallel_loop3A_464 = arith.index_cast %parallel_loop3A_45 : i32 to index
      %parallel_loop3A_465 = arith.constant 736 : index
      %parallel_loop3A_466 = tpu.vector_load %arg6[%parallel_loop3A_464, %parallel_loop3A_465] {strides = array<i32>} : memref<32x768xf32, #tpu.memory_space<vmem>>, vector<1x16xf32>,
      %parallel_loop3A_467 = vector.shape_cast %parallel_loop3A_466 : vector<1x16xf32> to vector<16xf32>
      %parallel_loop3A_468 = vector.shape_cast %parallel_loop3A_463 : vector<16xf32> to vector<1x16xf32>
      tpu.vector_store %arg6[%parallel_loop3A_464, %parallel_loop3A_465], %parallel_loop3A_468 {add = true, strides = array<i32>} : memref<32x768xf32, #tpu.memory_space<vmem>>, vector<1x16xf32>,
      %parallel_loop3A_469 = arith.index_cast %parallel_loop3A_45 : i32 to index
      %parallel_loop3A_470 = arith.constant 752 : index
      %parallel_loop3A_471 = tpu.vector_load %arg5[%parallel_loop3A_469, %parallel_loop3A_470] {strides = array<i32>} : memref<32x768xf32, #tpu.memory_space<vmem>>, vector<1x16xf32>,
      %parallel_loop3A_472 = vector.shape_cast %parallel_loop3A_471 : vector<1x16xf32> to vector<16xf32>
      %parallel_loop3A_473 = arith.index_cast %parallel_loop3A_45 : i32 to index
      %parallel_loop3A_474 = arith.constant 752 : index
      %parallel_loop3A_475 = tpu.vector_load %arg6[%parallel_loop3A_473, %parallel_loop3A_474] {strides = array<i32>} : memref<32x768xf32, #tpu.memory_space<vmem>>, vector<1x16xf32>,
      %parallel_loop3A_476 = vector.shape_cast %parallel_loop3A_475 : vector<1x16xf32> to vector<16xf32>
      %parallel_loop3A_477 = vector.shape_cast %parallel_loop3A_472 : vector<16xf32> to vector<1x16xf32>
      tpu.vector_store %arg6[%parallel_loop3A_473, %parallel_loop3A_474], %parallel_loop3A_477 {add = true, strides = array<i32>} : memref<32x768xf32, #tpu.memory_space<vmem>>, vector<1x16xf32>,
    } {sc.loop_unroll_factor = 2 : i64, sc.parallel_access}
    "tpu.region"() ({
      %run_scoped3A = tpu.sem_alloc : memref<!tpu.dma_semaphore, #tpu.memory_space<semaphore_mem>>
      %dma_start3A_45 = arith.constant 0 : i32
      %dma_start3A_46 = tpu.memref_slice %arg4[%select_n3A, %mul3A_20, %dma_start3A_45] : memref<4x256x768xf32, #tpu.memory_space<hbm>> -> memref<1x32x768xf32, #tpu.memory_space<hbm>>
      %dma_start3A_47 = tpu.memref_squeeze %dma_start3A_46 : memref<1x32x768xf32, #tpu.memory_space<hbm>> -> memref<32x768xf32, #tpu.memory_space<hbm>>
      %dma_start3A_48 = arith.constant 0 : i32
      %dma_start3A_49 = tpu.memref_slice %arg4[%select_n3A, %mul3A_20, %dma_start3A_48] : memref<4x256x768xf32, #tpu.memory_space<hbm>> -> memref<1x32x768xf32, #tpu.memory_space<hbm>>
      %dma_start3A_50 = tpu.memref_squeeze %dma_start3A_49 : memref<1x32x768xf32, #tpu.memory_space<hbm>> -> memref<32x768xf32, #tpu.memory_space<hbm>>
      tpu.enqueue_dma source(%arg6 : memref<32x768xf32, #tpu.memory_space<vmem>>) target(%dma_start3A_50 : memref<32x768xf32, #tpu.memory_space<hbm>>) target_semaphore(%run_scoped3A : memref<!tpu.dma_semaphore, #tpu.memory_space<semaphore_mem>>)
      %dma_wait3A_51 = arith.constant 0 : i32
      %dma_wait3A_52 = tpu.memref_slice %arg4[%select_n3A, %mul3A_20, %dma_wait3A_51] : memref<4x256x768xf32, #tpu.memory_space<hbm>> -> memref<1x32x768xf32, #tpu.memory_space<hbm>>
      %dma_wait3A_53 = tpu.memref_squeeze %dma_wait3A_52 : memref<1x32x768xf32, #tpu.memory_space<hbm>> -> memref<32x768xf32, #tpu.memory_space<hbm>>
      %dma_wait3A_54 = arith.constant 0 : i32
      %dma_wait3A_55 = tpu.memref_slice %arg4[%select_n3A, %mul3A_20, %dma_wait3A_54] : memref<4x256x768xf32, #tpu.memory_space<hbm>> -> memref<1x32x768xf32, #tpu.memory_space<hbm>>
      %dma_wait3A_56 = tpu.memref_squeeze %dma_wait3A_55 : memref<1x32x768xf32, #tpu.memory_space<hbm>> -> memref<32x768xf32, #tpu.memory_space<hbm>>
      tpu.wait_dma2 semaphore(%run_scoped3A : memref<!tpu.dma_semaphore, #tpu.memory_space<semaphore_mem>>) src(%arg6 : memref<32x768xf32, #tpu.memory_space<vmem>>) dst(%dma_wait3A_56 : memref<32x768xf32, #tpu.memory_space<hbm>>)
      tpu.yield
    }) : () -> ()
    return
  }
}

module attributes {stable_mosaic.version = 14 : i64} {
  func.func @_tc_body(%arg0: i32, %arg1: memref<4x448x768xf32, #tpu.memory_space<vmem>>, %arg2: memref<448x768xf32, #tpu.memory_space<vmem>>, %arg3: memref<4x448x768xf32, #tpu.memory_space<vmem>>) attributes {dimension_semantics = [#tpu.dimension_semantics<arbitrary>], iteration_bounds = array<i64: 4>, scalar_prefetch = 0 : i64, scratch_operands = 0 : i64, tpu.core_type = #tpu.core_type<tc>, window_params = [{transform_indices = @transform_0, window_bounds = array<i64: 4, 448, 768>}, {transform_indices = @transform_1, window_bounds = array<i64: 448, 768>}, {transform_indices = @transform_2, window_bounds = array<i64: 4, 448, 768>}]} {
    %get3A = arith.constant 0 : index
    %get3A_0 = arith.constant 0 : index
    %get3A_1 = arith.constant 0 : index
    %get3A_2 = vector.load %arg1[%get3A, %get3A_0, %get3A_1] : memref<4x448x768xf32, #tpu.memory_space<vmem>>, vector<4x448x768xf32>
    %get3A_3 = arith.constant 0 : index
    %get3A_4 = arith.constant 0 : index
    %get3A_5 = vector.load %arg2[%get3A_3, %get3A_4] : memref<448x768xf32, #tpu.memory_space<vmem>>, vector<448x768xf32>
    %broadcast_in_dim3A = vector.shape_cast %get3A_5 : vector<448x768xf32> to vector<1x448x768xf32>
    %add3A = vector.broadcast %broadcast_in_dim3A : vector<1x448x768xf32> to vector<4x448x768xf32>
    %add3A_6 = arith.addf %get3A_2, %add3A : vector<4x448x768xf32>
    %swap3A = arith.constant 0 : index
    %swap3A_7 = arith.constant 0 : index
    %swap3A_8 = arith.constant 0 : index
    %swap3A_9 = vector.load %arg3[%swap3A, %swap3A_7, %swap3A_8] : memref<4x448x768xf32, #tpu.memory_space<vmem>>, vector<4x448x768xf32>
    tpu.vector_store %arg3[%swap3A, %swap3A_7, %swap3A_8], %add3A_6 {strides = array<i32>} : memref<4x448x768xf32, #tpu.memory_space<vmem>>, vector<4x448x768xf32>,
    return
  }
  func.func @transform_0(%arg0: i32) -> (i32, i32, i32) {
    %c0_i32 = arith.constant 0 : i32
    %c0_i32_0 = arith.constant 0 : i32
    %c0_i32_1 = arith.constant 0 : i32
    return %c0_i32, %arg0, %c0_i32_0 : i32, i32, i32
  }
  func.func @transform_1(%arg0: i32) -> (i32, i32) {
    %c0_i32 = arith.constant 0 : i32
    %c0_i32_0 = arith.constant 0 : i32
    return %arg0, %c0_i32 : i32, i32
  }
  func.func @transform_2(%arg0: i32) -> (i32, i32, i32) {
    %c0_i32 = arith.constant 0 : i32
    %c0_i32_0 = arith.constant 0 : i32
    %c0_i32_1 = arith.constant 0 : i32
    return %c0_i32, %arg0, %c0_i32_0 : i32, i32, i32
  }
}

</mosaic_0001>

<sc_bundles>
// kernel: kernel.4.cloned.1.call-start
scs
__scs_entry_jumppad:
0x0: {  	(pc) =	sbr.rel $0x88, $3  }
0x1: {  	(tag) =	ssettag $0x0;
	lr =	simm.s32 $0x1  }
0x2: {  	[smem:$0x3F9F] =	sst lr;
	_ =	strace $0xD0000000  }
0x3: {  	_ = 	snop  }
0x4: {  	_ = 	snop  }
0x5: {  	_ = 	snop  }
0x6: {  	_ = 	snop  }
0x7: {  	_ = 	snop  }
__scs_overlays_trampoline_lowered:
0x8: {  	[smem:$0x3FAE] =	sst s0  }
0x9: {  	[smem:$0x3FAF] =	sst s1  }
0xa: {  	[smem:$0x3FB0] =	sst s2  }
0xb: {  	[smem:$0x3FB1] =	sst s3  }
0xc: {  	[smem:$0x3FB2] =	sst s4  }
0xd: {  	[smem:$0x3FB3] =	sst s5  }
0xe: {  	[smem:$0x3FB4] =	sst s6  }
0xf: {  	[smem:$0x3FB5] =	sst s7  }
0x10: {  	[smem:$0x3FB6] =	sst s8  }
0x11: {  	[smem:$0x3FB7] =	sst s9;
	s0 =	simm.s32 @!p0 $0x0  }
0x12: {  	s1 =	sld [smem:$0x3F9D];
	s0 =	simm.s32 @p0 $0x1  }
0x13: {  	[smem:$0x3FB8] =	sst s0;
	s0 =	simm.s32 @!p1 $0x0  }
0x14: {  	s2 =	sld [smem:$0x3F9C];
	s0 =	simm.s32 @p1 $0x1  }
0x15: {  	[smem:$0x3FB9] =	sst s0;
	s0 =	simm.s32 @!p2 $0x0  }
0x16: {  	s3 =	sld [smem:$0x3FDB];
	s0 =	simm.s32 @p2 $0x1  }
0x17: {  	s4 =	simm.s32 $0x1BF5;
	[smem:$0x3FBB] =	sst s0  }
0x18: {  	s0 =	sld [smem:$0x3F9E];
	_ =	swait.ge [sflag:s4], $0x0  }
0x19: {  	s7 =	sld [smem:$0x3F9F]  }
0x1a: {  	s8 =	sadd.s32 $0xFFFFE003, lr  }
0x1b: {  	s9 =	sadd.s32 $0xFFFFFEF7, lr;
	s5 =	simm.s32 $0xFFFFFFFF;
	p2 =	slt.u32 s8, $0xFFFFF086  }
0x1c: {  	p1 =	slt.u32 s9, $0xF7A;
	s5 =	simm.s32 @!p2 $0x0  }
0x1d: {  	s5 =	simm.s32 @p1 $0x1;
	p0 =	seq.s32 s7, s2  }
0x1e: {  	s7 =	smul.u32 @!p0 $0xF7A, s2;
	p2 =	seq.s32 @!p0 s5, $0x0  }
0x1f: {  	s9 =	smul.u32 $0xF7A, s1;
	s8 =	simm.s32 @!p0 $0x1BF5;
	p2 =	por !p2, p0  }
0x20: {  	[sflag:s8] =	ssyncset.s32 @!p0 $0xFFFFF086;
	s6 =	sadd.s32 @!p0 s3, s7;
	s7 =	simm.s32 @!p0 $0x108  }
0x21: {  	s3 =	sadd.s32 s3, s9;
	s6 =	sadd.s32 @!p0 $0x88, s6;
	s7 =	simm.s32 @p2 $0x1082  }
0x22: {  	[simem:s7], [sflag:s8] =	dma.local @!p0 [hbm:s6], $0xF7A  }
0x23: {  	s9 =	sor.u32 $0xD0000000, s2;
	s6 =	simm.s32 $0x108;
	_ =	swait.ge @!p0 [sflag:s8], $0x0  }
0x24: {  	s3 =	sadd.s32 $0x88, s3;
	s6 =	simm.s32 @!p1 $0x1082;
	[sflag:s4] =	ssyncset.s32 $0xFFFFF086  }
0x25: {  	[simem:s6], [sflag:s4] =	dma.local [hbm:s3], $0xF7A  }
0x26: {  	[smem:$0x3F9F] =	sst s1;
	(tag) =	ssettag s2;
	_ =	strace s9  }
0x27: {  	s1 =	sld [smem:$0x3FAF]  }
0x28: {  	s2 =	sld [smem:$0x3FB0]  }
0x29: {  	s4 =	sld [smem:$0x3FB2]  }
0x2a: {  	p0 =	seq.s32 s5, $0x0;
	s5 =	sld [smem:$0x3FB3]  }
0x2b: {  	s6 =	sld [smem:$0x3FB4]  }
0x2c: {  	s7 =	sld [smem:$0x3FB5]  }
0x2d: {  	s3 =	simm.s32 $0x108;
	s8 =	sld [smem:$0x3FB6]  }
0x2e: {  	s3 =	simm.s32 @!p0 $0x1082;
	s9 =	sld [smem:$0x3FB7]  }
0x2f: {  	lr =	sadd.s32 s0, s3;
	s0 =	sld [smem:$0x3FAE]  }
0x30: {  	s3 =	sld [smem:$0x3FB1]  }
0x31: {  	[smem:$0x3FBA] =	sst s10  }
0x32: {  	s10 =	sld [smem:$0x3FB8];
	_ =	sdelay $0x3  }
0x33: {  	p0 =	seq.s32 s10, $0x1;
	s10 =	sld [smem:$0x3FBA];
	_ =	sdelay $0x3  }
0x34: {  	[smem:$0x3FBA] =	sst s10  }
0x35: {  	s10 =	sld [smem:$0x3FB9];
	_ =	sdelay $0x3  }
0x36: {  	p1 =	seq.s32 s10, $0x1;
	s10 =	sld [smem:$0x3FBA];
	_ =	sdelay $0x3  }
0x37: {  	[smem:$0x3FBA] =	sst s10  }
0x38: {  	s10 =	sld [smem:$0x3FBB]  }
0x39: {  	_ = 	snop;
	(pc) =	sbr.ind lr, $3  }
0x3a: {  	_ = 	snop  }
0x3b: {  	_ = 	snop  }
0x3c: {  	p2 =	seq.s32 s10, $0x1;
	s10 =	sld [smem:$0x3FBA]  }
0x3d: {  	_ =	shalt  }
0x3e: {  	_ =	shalt  }
0x3f: {  	_ =	shalt  }
0x40: {  	_ =	shalt  }
0x41: {  	_ =	shalt  }
0x42: {  	_ =	shalt  }
0x43: {  	_ =	shalt  }
0x44: {  	_ =	shalt  }
0x45: {  	_ =	shalt  }
0x46: {  	_ =	shalt  }
0x47: {  	_ =	shalt  }
0x48: {  	_ =	shalt  }
0x49: {  	_ =	shalt  }
0x4a: {  	_ =	shalt  }
0x4b: {  	_ =	shalt  }
0x4c: {  	_ =	shalt  }
0x4d: {  	_ =	shalt  }
0x4e: {  	_ =	shalt  }
0x4f: {  	_ =	shalt  }
0x50: {  	_ =	shalt  }
0x51: {  	_ =	shalt  }
0x52: {  	_ =	shalt  }
0x53: {  	_ =	shalt  }
0x54: {  	_ =	shalt  }
0x55: {  	_ =	shalt  }
0x56: {  	_ =	shalt  }
0x57: {  	_ =	shalt  }
0x58: {  	_ =	shalt  }
0x59: {  	_ =	shalt  }
0x5a: {  	_ =	shalt  }
0x5b: {  	_ =	shalt  }
0x5c: {  	_ =	shalt  }
0x5d: {  	_ =	shalt  }
0x5e: {  	_ =	shalt  }
0x5f: {  	_ =	shalt  }
0x60: {  	_ =	shalt  }
0x61: {  	_ =	shalt  }
0x62: {  	_ =	shalt  }
0x63: {  	_ =	shalt  }
0x64: {  	_ =	shalt  }
0x65: {  	_ =	shalt  }
0x66: {  	_ =	shalt  }
0x67: {  	_ =	shalt  }
0x68: {  	_ =	shalt  }
0x69: {  	_ =	shalt  }
0x6a: {  	_ =	shalt  }
0x6b: {  	_ =	shalt  }
0x6c: {  	_ =	shalt  }
0x6d: {  	_ =	shalt  }
0x6e: {  	_ =	shalt  }
0x6f: {  	_ =	shalt  }
0x70: {  	_ =	shalt  }
0x71: {  	_ =	shalt  }
0x72: {  	_ =	shalt  }
0x73: {  	_ =	shalt  }
0x74: {  	_ =	shalt  }
0x75: {  	_ =	shalt  }
0x76: {  	_ =	shalt  }
0x77: {  	_ =	shalt  }
0x78: {  	_ =	shalt  }
0x79: {  	_ =	shalt  }
0x7a: {  	_ =	shalt  }
0x7b: {  	_ =	shalt  }
0x7c: {  	_ =	shalt  }
0x7d: {  	_ =	shalt  }
0x7e: {  	_ =	shalt  }
0x7f: {  	_ =	shalt  }
0x80: {  	_ =	shalt  }
0x81: {  	_ =	shalt  }
0x82: {  	_ =	shalt  }
0x83: {  	_ =	shalt  }
0x84: {  	_ =	shalt  }
0x85: {  	_ =	shalt  }
0x86: {  	_ =	shalt  }
0x87: {  	_ =	shalt  }
.Lfunc_end0:
.L_simem_size_0:
called_computation_lowered:
.L_overlay_start_0:
0x88: {  	s2 =	sld [smem:$0x3FD9]  }
0x89: {  	s3 =	sld [smem:$0x3FFE];
	_ =	sdelay $0x1  }
0x8a: {  	s1 =	srdreg.scid  }
0x8b: {  	s0 =	sand.u32 $0x1, s1  }
0x8c: {  	s17 =	sshll.u32 s0, $0xA;
	s2 =	sadd.s32 s3, s2  }
0x8d: {  	s2 =	sadd.s32 s2, s17  }
0x8e: {  	[smem:$0x3FC6] =	sst s2  }
0x8f: {  	_ = 	snop  }
0x90: {  	s2 =	sld [smem:$0x3FC9]  }
0x91: {  	s18 =	sld [smem:$0x3FC8];
	(tm) =	ssettm $0x1  }
0x92: {  	s4 =	sld [smem:$0x3FFB];
	_ =	sdelay $0x3  }
0x93: {  	_ =	strace s4  }
0x94: {  	s4 =	sld [smem:$0x3FFC];
	_ =	sdelay $0x3  }
0x95: {  	_ =	strace s4  }
0x96: {  	s4 =	sld [smem:$0x3FFD];
	_ =	sdelay $0x3  }
0x97: {  	_ =	strace s4  }
0x98: {  	_ =	strace $0x8FFFFFFF  }
0x99: {  	s19 =	sld [smem:$0x3FDB];
	_ =	sdelay $0x1  }
0x9a: {  	s5 =	simm.s32 $_scs_section_size  }
0x9b: {  	s6 =	simm.s32 $_size__tile_overlayer_lowered;
	s7 =	simm.s32 $_tile_overlayer_lowered  }
0x9c: {  	s22 =	simm.s32 $0x1BFF;
	s21 =	sshll.u32 s7, $0x1;
	s4 =	sadd.s32 s5, s19  }
0x9d: {  	s8 =	simm.s32 $0x0;
	s20 =	sshll.u32 s6, $0x1;
	s6 =	sadd.s32 s21, s4  }
0x9e: {  	[timem:s8], [sflag:s22] =	dma.local [hbm:s6], s20  }
0x9f: {  	_ =	swait.ge [sflag:s22], s20  }
0xa0: {  	s5 =	ssub.s32 $0x0, s20;
	[sflag:s22] =	ssyncset.done $0x0  }
0xa1: {  	[sflag:s22] =	ssyncadd.s32 s5;
	_ =	sdelay $0x1  }
0xa2: {  	s23 =	simm.s32 $0x1B8B  }
0xa3: {  	_ =	swait.ge [sflag:s23], $0x1  }
0xa4: {  	[sflag:s23] =	ssyncset.done $0x0  }
0xa5: {  	s25 =	simm.s32 $0x1B8E;
	s24 =	sld [smem:$0x3FFE];
	[sflag:s23] =	ssyncadd.s32 $0xFFFFFFFF  }
0xa6: {  	s26 =	simm.s32 $execute0_lowered;
	[smem:$0x3FD2] =	sst s25  }
0xa7: {  	s6 =	sshll.u32 s26, $0x1;
	_ =	strace $0x80000046;
	[dreg:$0x1] =	wrdreg $0xFFFFFFFF  }
0xa8: {  	s28 =	simm.s32 $_size_execute0_lowered;
	s4 =	sadd.s32 s4, s6;
	[dreg:$0x0] =	wrdreg $0x0  }
0xa9: {  	s6 =	sshll.u32 s28, $0x1;
	[dreg:$0x2] =	wrdreg s4  }
0xaa: {  	[dreg:$0x3] =	wrdreg s6  }
0xab: {  	[dreg:$0x4] =	wrdreg $0xC0  }
0xac: {  	_ =	task [dreg:s8], $0x5FFFF  }
0xad: {  	[dreg:$0x1] =	wrdreg $0xFFFFFFFF  }
0xae: {  	[dreg:$0x0] =	wrdreg $0x60  }
0xaf: {  	[dreg:$0x2] =	wrdreg s2  }
0xb0: {  	[dreg:$0x3] =	wrdreg s18  }
0xb1: {  	[dreg:$0x4] =	wrdreg s24  }
0xb2: {  	[dreg:$0x5] =	wrdreg $0x9  }
0xb3: {  	_ =	task.clear_ibuf [dreg:s8], $0x6FFFF;
	_ =	strace $0x90000046  }
0xb4: {  	s29 =	simm.s32 $0x9;
	_ =	strace $0x80000048  }
0xb5: {  	_ =	swait.ge [sflag:s29], $0x1  }
0xb6: {  	[sflag:s29] =	ssyncadd.s32 $0xFFFFFFFF  }
0xb7: {  	_ =	strace $0x90000048  }
0xb8: {  	_ =	sfence  }
0xb9: {  	s30 =	sld [smem:$0x0];
	_ =	sdelay $0x2  }
0xba: {  	s31 =	sshll.u32 s1, $0xD;
	s1 =	sshrl.u32 s1, $0x2  }
0xbb: {  	s3 =	sand.u32 $0x4000, s31;
	s1 =	sadd.s32 s1, s30  }
0xbc: {  	s0 =	sor.u32 s3, s0;
	s1 =	sshll.u32 s1, $0x11  }
0xbd: {  	s0 =	sor.u32 s1, s0  }
0xbe: {  	s0 =	sadd.s32 $0x8F2B, s0  }
0xbf: {  	[sflag:s0] =	ssyncadd.remote.s32 $0x1  }
0xc0: {  	_ =	sfence.sel $0xFFFF  }
0xc1: {  	[dreg:$0x0] =	wrdreg $0xFFFFFFFF;
	(pc) =	sbr.abs _section_cstart, $3  }
0xc2: {  	[dreg:$0x1] =	wrdreg $0xFFFFFFFF  }
0xc3: {  	_ =	task.clear_ibuf [dreg:s8], $0x2FFFF;
	_ =	strace $0x9FFFFFFF  }
0xc4: {  	(tm) =	ssettm $0x7FFFFFFF  }
0xc5: {  	_ =	shalt  }
tec
execute0_lowered:
.L_overlay_start_1:
0x0: {  	(tag) =	ssettag $0x1  }
0x1: {  	s4 =	rddreg [dreg:$0x0]  }
0x2: {  	s0 =	stileid.u32;
	s5 =	rddreg [dreg:$0x1]  }
0x3: {  	s1 =	srdreg.scid;
	s6 =	rddreg [dreg:$0x2];
	s2 =	sshll.u32 s0, $0x1  }
0x4: {  	s3 =	sand.u32 $0x1, s1;
	s7 =	sshrl.u32 s0, $0x2;
	s29 =	sand.u32 $0x6, s2  }
0x5: {  	s10 =	simm.s32 $0x3;
	s9 =	smul.u32 $0x30000, s7;
	s1 =	sor.u32 s3, s29  }
0x6: {  	s11 =	simm.s32 $0x0;
	s2 =	simm.s32 $0x0;
	s8 =	smul.u32 $0x6000, s1  }
0x7: {  	s7 =	smul.u32 $0x180000, s7;
	[smem:$0x7FF] =	sst s2;
	s3 =	ssub.s32 $0x2, s3  }
0x8: {  	s1 =	rddreg [dreg:$0x3];
	_ =	strace $0x80000047;
	s9 =	sadd.s32 s9, s8  }
0x9: {  	s30 =	sshrl.u32 s3, $0x1;
	s8 =	sadd.s32 $0x150000, s8;
	s9 =	sshrl.u32 s9, $0x3  }
0xa: {  	s7 =	sadd.s32 s7, s8;
	s31 =	sshrl.u32 s8, $0x3;
	s8 =	simm.s32 $0x1  }
0xb: {  	s6 =	sadd.s32 s9, s6;
	s9 =	ssub.s32 s3, s30;
	s7 =	sshrl.u32 s7, $0x3  }
0xc: {  	s3 =	sadd.s32 s5, s31;
	s4 =	sadd.s32 s4, s7;
	s5 =	sadd.s32 $0x600, s6  }
0xd: {  	s6 =	smax.u32 s9, $0x1;
	s7 =	simm.s32 $0x6000;
	s9 =	simm.s32 $0x2  }
.LBB2_1:
0xe: {  	[tilespmem:s2], [sflag:$0x1] =	stream.linear.gather [hbm4b:s3+s2], $0x6000, $0x38;
	[tilespmem:$0xC000] =	vst v63  }
0xf: {  	_ = 	snop  }
0x10: {  	[tilespmem:s7], [sflag:$0x2] =	stream.linear.gather [hbm4b:s4+s2], $0x6000, $0x38;
	[tilespmem:$0xC000] =	vst v63  }
0x11: {  	_ =	swait.ge [sflag:s8], $0x6000  }
0x12: {  	[sflag:s8] =	ssyncset.done $0x0  }
0x13: {  	s12 =	simm.s32 $0x0;
	[sflag:s8] =	ssyncadd.s32 $0xFFFFA000  }
0x14: {  	s25 =	sand.u32 $0x300, s2;
	s13 =	smul.u32 $0x1800, s12;
	_ =	swait.ge [sflag:s9], $0x6000  }
0x15: {  	s14 =	sor.u32 $0x80, s25;
	[sflag:s9] =	ssyncset.done $0x0  }
0x16: {  	s16 =	sor.u32 s13, s14;
	[sflag:s9] =	ssyncadd.s32 $0xFFFFA000  }
0x17: {  	v0 =	vld [tilespmem:s16+$0x0]  }
0x18: {  	v1 =	vld [tilespmem:s16+$0x10]  }
0x19: {  	v2 =	vld [tilespmem:s16+$0x20]  }
0x1a: {  	v3 =	vld [tilespmem:s16+$0x30]  }
0x1b: {  	v4 =	vld [tilespmem:s16+$0x40]  }
0x1c: {  	v5 =	vld [tilespmem:s16+$0x50]  }
0x1d: {  	v6 =	vld [tilespmem:s16+$0x60]  }
0x1e: {  	v7 =	vld [tilespmem:s16+$0x70]  }
0x1f: {  	v8 =	vld [tilespmem:s16+$0x400]  }
0x20: {  	v9 =	vld [tilespmem:s16+$0x410]  }
0x21: {  	v10 =	vld [tilespmem:s16+$0x420]  }
0x22: {  	v11 =	vld [tilespmem:s16+$0x430]  }
0x23: {  	v12 =	vld [tilespmem:s16+$0x440]  }
0x24: {  	v13 =	vld [tilespmem:s16+$0x450]  }
0x25: {  	s15 =	sadd.s32 $0x800, s13;
	s26 =	sadd.s32 $0xC00, s13;
	v14 =	vld [tilespmem:s16+$0x460]  }
0x26: {  	s28 =	sadd.s32 $0x1000, s13;
	s29 =	sadd.s32 $0x1400, s13;
	s13 =	sor.u32 s25, s13;
	v15 =	vld [tilespmem:s16+$0x470]  }
0x27: {  	v54 =	vld [tilespmem:s13+$0x400]  }
0x28: {  	v55 =	vld [tilespmem:s13+$0x410]  }
0x29: {  	v56 =	vld [tilespmem:s13+$0x420]  }
0x2a: {  	v57 =	vld [tilespmem:s13+$0x430]  }
0x2b: {  	v58 =	vld [tilespmem:s13+$0x440]  }
0x2c: {  	v59 =	vld [tilespmem:s13+$0x450]  }
0x2d: {  	v60 =	vld [tilespmem:s13+$0x460]  }
0x2e: {  	v61 =	vld [tilespmem:s13+$0x470]  }
0x2f: {  	[tilespmem:s16+$0x6000] =	vst.add.f32.msk $0xffff, v0  }
0x30: {  	[tilespmem:s16+$0x6010] =	vst.add.f32.msk $0xffff, v1  }
0x31: {  	[tilespmem:s16+$0x6020] =	vst.add.f32.msk $0xffff, v2  }
0x32: {  	[tilespmem:s16+$0x6030] =	vst.add.f32.msk $0xffff, v3  }
0x33: {  	[tilespmem:s16+$0x6040] =	vst.add.f32.msk $0xffff, v4  }
0x34: {  	[tilespmem:s16+$0x6050] =	vst.add.f32.msk $0xffff, v5  }
0x35: {  	[tilespmem:s16+$0x6060] =	vst.add.f32.msk $0xffff, v6  }
0x36: {  	[tilespmem:s16+$0x6070] =	vst.add.f32.msk $0xffff, v7  }
0x37: {  	[tilespmem:s16+$0x6400] =	vst.add.f32.msk $0xffff, v8  }
0x38: {  	[tilespmem:s16+$0x6410] =	vst.add.f32.msk $0xffff, v9  }
0x39: {  	[tilespmem:s16+$0x6420] =	vst.add.f32.msk $0xffff, v10  }
0x3a: {  	[tilespmem:s16+$0x6430] =	vst.add.f32.msk $0xffff, v11  }
0x3b: {  	[tilespmem:s16+$0x6440] =	vst.add.f32.msk $0xffff, v12  }
0x3c: {  	[tilespmem:s16+$0x6450] =	vst.add.f32.msk $0xffff, v13  }
0x3d: {  	[tilespmem:s16+$0x6460] =	vst.add.f32.msk $0xffff, v14  }
0x3e: {  	[tilespmem:s16+$0x6470] =	vst.add.f32.msk $0xffff, v15  }
0x3f: {  	[tilespmem:s13+$0x6400] =	vst.add.f32.msk $0xffff, v54  }
0x40: {  	[tilespmem:s13+$0x6410] =	vst.add.f32.msk $0xffff, v55  }
0x41: {  	[tilespmem:s13+$0x6420] =	vst.add.f32.msk $0xffff, v56  }
0x42: {  	[tilespmem:s13+$0x6430] =	vst.add.f32.msk $0xffff, v57  }
0x43: {  	[tilespmem:s13+$0x6440] =	vst.add.f32.msk $0xffff, v58  }
0x44: {  	[tilespmem:s13+$0x6450] =	vst.add.f32.msk $0xffff, v59  }
0x45: {  	[tilespmem:s13+$0x6460] =	vst.add.f32.msk $0xffff, v60  }
0x46: {  	s17 =	sor.u32 s14, s15;
	[tilespmem:s13+$0x6470] =	vst.add.f32.msk $0xffff, v61  }
0x47: {  	v0 =	vld [tilespmem:s17+$0x0]  }
0x48: {  	v1 =	vld [tilespmem:s17+$0x10]  }
0x49: {  	v2 =	vld [tilespmem:s17+$0x20]  }
0x4a: {  	v3 =	vld [tilespmem:s17+$0x30]  }
0x4b: {  	v4 =	vld [tilespmem:s17+$0x40]  }
0x4c: {  	v5 =	vld [tilespmem:s17+$0x50]  }
0x4d: {  	v6 =	vld [tilespmem:s17+$0x60]  }
0x4e: {  	v7 =	vld [tilespmem:s17+$0x70]  }
0x4f: {  	[tilespmem:s17+$0x6000] =	vst.add.f32.msk $0xffff, v0  }
0x50: {  	[tilespmem:s17+$0x6010] =	vst.add.f32.msk $0xffff, v1  }
0x51: {  	[tilespmem:s17+$0x6020] =	vst.add.f32.msk $0xffff, v2  }
0x52: {  	[tilespmem:s17+$0x6030] =	vst.add.f32.msk $0xffff, v3  }
0x53: {  	[tilespmem:s17+$0x6040] =	vst.add.f32.msk $0xffff, v4  }
0x54: {  	[tilespmem:s17+$0x6050] =	vst.add.f32.msk $0xffff, v5  }
0x55: {  	[tilespmem:s17+$0x6060] =	vst.add.f32.msk $0xffff, v6  }
0x56: {  	s18 =	sor.u32 s14, s26;
	[tilespmem:s17+$0x6070] =	vst.add.f32.msk $0xffff, v7  }
0x57: {  	v0 =	vld [tilespmem:s18+$0x0]  }
0x58: {  	v1 =	vld [tilespmem:s18+$0x10]  }
0x59: {  	v2 =	vld [tilespmem:s18+$0x20]  }
0x5a: {  	v3 =	vld [tilespmem:s18+$0x30]  }
0x5b: {  	v4 =	vld [tilespmem:s18+$0x40]  }
0x5c: {  	v5 =	vld [tilespmem:s18+$0x50]  }
0x5d: {  	v6 =	vld [tilespmem:s18+$0x60]  }
0x5e: {  	v7 =	vld [tilespmem:s18+$0x70]  }
0x5f: {  	[tilespmem:s18+$0x6000] =	vst.add.f32.msk $0xffff, v0  }
0x60: {  	[tilespmem:s18+$0x6010] =	vst.add.f32.msk $0xffff, v1  }
0x61: {  	[tilespmem:s18+$0x6020] =	vst.add.f32.msk $0xffff, v2  }
0x62: {  	[tilespmem:s18+$0x6030] =	vst.add.f32.msk $0xffff, v3  }
0x63: {  	[tilespmem:s18+$0x6040] =	vst.add.f32.msk $0xffff, v4  }
0x64: {  	[tilespmem:s18+$0x6050] =	vst.add.f32.msk $0xffff, v5  }
0x65: {  	[tilespmem:s18+$0x6060] =	vst.add.f32.msk $0xffff, v6  }
0x66: {  	s19 =	sor.u32 s14, s28;
	[tilespmem:s18+$0x6070] =	vst.add.f32.msk $0xffff, v7  }
0x67: {  	v0 =	vld [tilespmem:s19+$0x0]  }
0x68: {  	v1 =	vld [tilespmem:s19+$0x10]  }
0x69: {  	v2 =	vld [tilespmem:s19+$0x20]  }
0x6a: {  	v3 =	vld [tilespmem:s19+$0x30]  }
0x6b: {  	v4 =	vld [tilespmem:s19+$0x40]  }
0x6c: {  	v5 =	vld [tilespmem:s19+$0x50]  }
0x6d: {  	v6 =	vld [tilespmem:s19+$0x60]  }
0x6e: {  	v7 =	vld [tilespmem:s19+$0x70]  }
0x6f: {  	[tilespmem:s19+$0x6000] =	vst.add.f32.msk $0xffff, v0  }
0x70: {  	[tilespmem:s19+$0x6010] =	vst.add.f32.msk $0xffff, v1  }
0x71: {  	[tilespmem:s19+$0x6020] =	vst.add.f32.msk $0xffff, v2  }
0x72: {  	[tilespmem:s19+$0x6030] =	vst.add.f32.msk $0xffff, v3  }
0x73: {  	[tilespmem:s19+$0x6040] =	vst.add.f32.msk $0xffff, v4  }
0x74: {  	[tilespmem:s19+$0x6050] =	vst.add.f32.msk $0xffff, v5  }
0x75: {  	[tilespmem:s19+$0x6060] =	vst.add.f32.msk $0xffff, v6  }
0x76: {  	[tilespmem:s19+$0x6070] =	vst.add.f32.msk $0xffff, v7  }
0x77: {  	v1 =	vld [tilespmem:s13+$0x0]  }
0x78: {  	v2 =	vld [tilespmem:s13+$0x10]  }
0x79: {  	v3 =	vld [tilespmem:s13+$0x20]  }
0x7a: {  	v4 =	vld [tilespmem:s13+$0x30]  }
0x7b: {  	v5 =	vld [tilespmem:s13+$0x50]  }
0x7c: {  	v6 =	vld [tilespmem:s13+$0x60]  }
0x7d: {  	s14 =	sor.u32 s14, s29;
	v7 =	vld [tilespmem:s13+$0x70]  }
0x7e: {  	v0 =	vld [tilespmem:s14+$0x70]  }
0x7f: {  	v62 =	vld [tilespmem:s14+$0x0]  }
0x80: {  	v63 =	vld [tilespmem:s14+$0x10]  }
0x81: {  	[tilespmem:s13+$0x6000] =	vst.add.f32.msk $0xffff, v1  }
0x82: {  	[tilespmem:s13+$0x6010] =	vst.add.f32.msk $0xffff, v2  }
0x83: {  	[tilespmem:s13+$0x6020] =	vst.add.f32.msk $0xffff, v3  }
0x84: {  	[tilespmem:s13+$0x6030] =	vst.add.f32.msk $0xffff, v4  }
0x85: {  	[tilespmem:s13+$0x6050] =	vst.add.f32.msk $0xffff, v5  }
0x86: {  	[tilespmem:s14+$0x6070] =	vst.add.f32.msk $0xffff, v0  }
0x87: {  	v0 =	vld [tilespmem:s13+$0x40]  }
0x88: {  	[tilespmem:s13+$0x6060] =	vst.add.f32.msk $0xffff, v6  }
0x89: {  	[tilespmem:s13+$0x6070] =	vst.add.f32.msk $0xffff, v7  }
0x8a: {  	[tilespmem:s14+$0x6000] =	vst.add.f32.msk $0xffff, v62  }
0x8b: {  	[tilespmem:s14+$0x6010] =	vst.add.f32.msk $0xffff, v63  }
0x8c: {  	s15 =	sor.u32 s25, s15;
	[tilespmem:s13+$0x6040] =	vst.add.f32.msk $0xffff, v0  }
0x8d: {  	v0 =	vld [tilespmem:s15+$0x0]  }
0x8e: {  	v1 =	vld [tilespmem:s15+$0x10]  }
0x8f: {  	v2 =	vld [tilespmem:s15+$0x20]  }
0x90: {  	v3 =	vld [tilespmem:s15+$0x30]  }
0x91: {  	v4 =	vld [tilespmem:s15+$0x40]  }
0x92: {  	v5 =	vld [tilespmem:s15+$0x50]  }
0x93: {  	v6 =	vld [tilespmem:s15+$0x60]  }
0x94: {  	v7 =	vld [tilespmem:s15+$0x70]  }
0x95: {  	[tilespmem:s15+$0x6000] =	vst.add.f32.msk $0xffff, v0  }
0x96: {  	[tilespmem:s15+$0x6010] =	vst.add.f32.msk $0xffff, v1  }
0x97: {  	[tilespmem:s15+$0x6020] =	vst.add.f32.msk $0xffff, v2  }
0x98: {  	[tilespmem:s15+$0x6030] =	vst.add.f32.msk $0xffff, v3  }
0x99: {  	[tilespmem:s15+$0x6040] =	vst.add.f32.msk $0xffff, v4  }
0x9a: {  	[tilespmem:s15+$0x6050] =	vst.add.f32.msk $0xffff, v5  }
0x9b: {  	[tilespmem:s15+$0x6060] =	vst.add.f32.msk $0xffff, v6  }
0x9c: {  	s30 =	sor.u32 s25, s26;
	[tilespmem:s15+$0x6070] =	vst.add.f32.msk $0xffff, v7  }
0x9d: {  	v0 =	vld [tilespmem:s30+$0x0]  }
0x9e: {  	v1 =	vld [tilespmem:s30+$0x10]  }
0x9f: {  	v2 =	vld [tilespmem:s30+$0x20]  }
0xa0: {  	v3 =	vld [tilespmem:s30+$0x30]  }
0xa1: {  	v4 =	vld [tilespmem:s30+$0x40]  }
0xa2: {  	v5 =	vld [tilespmem:s30+$0x50]  }
0xa3: {  	v6 =	vld [tilespmem:s30+$0x60]  }
0xa4: {  	v7 =	vld [tilespmem:s30+$0x70]  }
0xa5: {  	[tilespmem:s30+$0x6000] =	vst.add.f32.msk $0xffff, v0  }
0xa6: {  	[tilespmem:s30+$0x6010] =	vst.add.f32.msk $0xffff, v1  }
0xa7: {  	[tilespmem:s30+$0x6020] =	vst.add.f32.msk $0xffff, v2  }
0xa8: {  	[tilespmem:s30+$0x6030] =	vst.add.f32.msk $0xffff, v3  }
0xa9: {  	[tilespmem:s30+$0x6040] =	vst.add.f32.msk $0xffff, v4  }
0xaa: {  	[tilespmem:s30+$0x6050] =	vst.add.f32.msk $0xffff, v5  }
0xab: {  	[tilespmem:s30+$0x6060] =	vst.add.f32.msk $0xffff, v6  }
0xac: {  	s31 =	sor.u32 s25, s28;
	[tilespmem:s30+$0x6070] =	vst.add.f32.msk $0xffff, v7  }
0xad: {  	v0 =	vld [tilespmem:s31+$0x0]  }
0xae: {  	v1 =	vld [tilespmem:s31+$0x10]  }
0xaf: {  	v2 =	vld [tilespmem:s31+$0x20]  }
0xb0: {  	v3 =	vld [tilespmem:s31+$0x30]  }
0xb1: {  	v4 =	vld [tilespmem:s31+$0x40]  }
0xb2: {  	v5 =	vld [tilespmem:s31+$0x50]  }
0xb3: {  	v6 =	vld [tilespmem:s31+$0x60]  }
0xb4: {  	v7 =	vld [tilespmem:s31+$0x70]  }
0xb5: {  	[tilespmem:s31+$0x6000] =	vst.add.f32.msk $0xffff, v0  }
0xb6: {  	[tilespmem:s31+$0x6010] =	vst.add.f32.msk $0xffff, v1  }
0xb7: {  	[tilespmem:s31+$0x6020] =	vst.add.f32.msk $0xffff, v2  }
0xb8: {  	[tilespmem:s31+$0x6030] =	vst.add.f32.msk $0xffff, v3  }
0xb9: {  	[tilespmem:s31+$0x6040] =	vst.add.f32.msk $0xffff, v4  }
0xba: {  	[tilespmem:s31+$0x6050] =	vst.add.f32.msk $0xffff, v5  }
0xbb: {  	[tilespmem:s31+$0x6060] =	vst.add.f32.msk $0xffff, v6  }
0xbc: {  	[tilespmem:s31+$0x6070] =	vst.add.f32.msk $0xffff, v7  }
0xbd: {  	v4 =	vld [tilespmem:s14+$0x20]  }
0xbe: {  	v3 =	vld [tilespmem:s14+$0x30]  }
0xbf: {  	v2 =	vld [tilespmem:s14+$0x40]  }
0xc0: {  	v1 =	vld [tilespmem:s14+$0x50]  }
0xc1: {  	s12 =	sor.u32 s25, s29;
	v0 =	vld [tilespmem:s14+$0x60]  }
0xc2: {  	v5 =	vld [tilespmem:s12+$0x0]  }
0xc3: {  	v6 =	vld [tilespmem:s12+$0x10]  }
0xc4: {  	v7 =	vld [tilespmem:s12+$0x20]  }
0xc5: {  	v8 =	vld [tilespmem:s12+$0x30]  }
0xc6: {  	v9 =	vld [tilespmem:s12+$0x40]  }
0xc7: {  	v10 =	vld [tilespmem:s12+$0x50]  }
0xc8: {  	v11 =	vld [tilespmem:s12+$0x60]  }
0xc9: {  	v12 =	vld [tilespmem:s12+$0x70]  }
0xca: {  	[tilespmem:s12+$0x6000] =	vst.add.f32.msk $0xffff, v5  }
0xcb: {  	[tilespmem:s12+$0x6010] =	vst.add.f32.msk $0xffff, v6  }
0xcc: {  	[tilespmem:s12+$0x6020] =	vst.add.f32.msk $0xffff, v7  }
0xcd: {  	[tilespmem:s12+$0x6030] =	vst.add.f32.msk $0xffff, v8  }
0xce: {  	[tilespmem:s12+$0x6040] =	vst.add.f32.msk $0xffff, v9  }
0xcf: {  	[tilespmem:s12+$0x6050] =	vst.add.f32.msk $0xffff, v10  }
0xd0: {  	[tilespmem:s12+$0x6060] =	vst.add.f32.msk $0xffff, v11  }
0xd1: {  	s13 =	simm.s32 $0x0;
	[tilespmem:s12+$0x6070] =	vst.add.f32.msk $0xffff, v12;
	s12 =	simm.s32 $0x0  }
.LBB2_2:
0xd2: {  	s12 =	sadd.s32 $0x2, s12;
	[tilespmem:s14+$0x6020] =	vst.add.f32.msk $0xffff, v4  }
0xd3: {  	s13 =	sadd.s32 $0x100, s13;
	s15 =	sshrl.u32 s12, $0x3;
	p0 =	slt.u32 s12, $0x1E;
	[tilespmem:s14+$0x6030] =	vst.add.f32.msk $0xffff, v3  }
0xd4: {  	s16 =	sand.u32 $0x300, s13;
	s21 =	smul.u32 $0x1800, s15;
	[tilespmem:s14+$0x6040] =	vst.add.f32.msk $0xffff, v2  }
0xd5: {  	s20 =	sor.u32 $0x80, s16;
	[tilespmem:s14+$0x6050] =	vst.add.f32.msk $0xffff, v1  }
0xd6: {  	s15 =	sor.u32 s16, s21;
	s18 =	sor.u32 s21, s20;
	[tilespmem:s14+$0x6060] =	vst.add.f32.msk $0xffff, v0  }
0xd7: {  	v0 =	vld [tilespmem:s18+$0x0]  }
0xd8: {  	v1 =	vld [tilespmem:s18+$0x10]  }
0xd9: {  	v2 =	vld [tilespmem:s18+$0x20]  }
0xda: {  	v3 =	vld [tilespmem:s18+$0x30]  }
0xdb: {  	v4 =	vld [tilespmem:s18+$0x40]  }
0xdc: {  	v5 =	vld [tilespmem:s18+$0x50]  }
0xdd: {  	v6 =	vld [tilespmem:s18+$0x60]  }
0xde: {  	v7 =	vld [tilespmem:s18+$0x70]  }
0xdf: {  	v8 =	vld [tilespmem:s18+$0x400]  }
0xe0: {  	v9 =	vld [tilespmem:s18+$0x410]  }
0xe1: {  	v10 =	vld [tilespmem:s18+$0x420]  }
0xe2: {  	v11 =	vld [tilespmem:s18+$0x430]  }
0xe3: {  	v12 =	vld [tilespmem:s18+$0x440]  }
0xe4: {  	v13 =	vld [tilespmem:s18+$0x450]  }
0xe5: {  	v14 =	vld [tilespmem:s18+$0x460]  }
0xe6: {  	v15 =	vld [tilespmem:s18+$0x470]  }
0xe7: {  	[tilespmem:s18+$0x6000] =	vst.add.f32.msk $0xffff, v0  }
0xe8: {  	[tilespmem:s18+$0x6010] =	vst.add.f32.msk $0xffff, v1  }
0xe9: {  	[tilespmem:s18+$0x6020] =	vst.add.f32.msk $0xffff, v2  }
0xea: {  	[tilespmem:s18+$0x6030] =	vst.add.f32.msk $0xffff, v3  }
0xeb: {  	[tilespmem:s18+$0x6040] =	vst.add.f32.msk $0xffff, v4  }
0xec: {  	[tilespmem:s18+$0x6050] =	vst.add.f32.msk $0xffff, v5  }
0xed: {  	[tilespmem:s18+$0x6060] =	vst.add.f32.msk $0xffff, v6  }
0xee: {  	[tilespmem:s18+$0x6070] =	vst.add.f32.msk $0xffff, v7  }
0xef: {  	[tilespmem:s18+$0x6400] =	vst.add.f32.msk $0xffff, v8  }
0xf0: {  	[tilespmem:s18+$0x6410] =	vst.add.f32.msk $0xffff, v9  }
0xf1: {  	[tilespmem:s18+$0x6420] =	vst.add.f32.msk $0xffff, v10  }
0xf2: {  	[tilespmem:s18+$0x6430] =	vst.add.f32.msk $0xffff, v11  }
0xf3: {  	[tilespmem:s18+$0x6440] =	vst.add.f32.msk $0xffff, v12  }
0xf4: {  	[tilespmem:s18+$0x6450] =	vst.add.f32.msk $0xffff, v13  }
0xf5: {  	s14 =	sadd.s32 $0x800, s21;
	[tilespmem:s18+$0x6460] =	vst.add.f32.msk $0xffff, v14  }
0xf6: {  	s17 =	sor.u32 s16, s14;
	s14 =	sor.u32 s20, s14;
	[tilespmem:s18+$0x6470] =	vst.add.f32.msk $0xffff, v15  }
0xf7: {  	v0 =	vld [tilespmem:s14+$0x0]  }
0xf8: {  	v1 =	vld [tilespmem:s14+$0x10]  }
0xf9: {  	v2 =	vld [tilespmem:s14+$0x20]  }
0xfa: {  	v3 =	vld [tilespmem:s14+$0x30]  }
0xfb: {  	v4 =	vld [tilespmem:s14+$0x40]  }
0xfc: {  	v5 =	vld [tilespmem:s14+$0x50]  }
0xfd: {  	v6 =	vld [tilespmem:s14+$0x60]  }
0xfe: {  	v7 =	vld [tilespmem:s14+$0x70]  }
0xff: {  	[tilespmem:s14+$0x6000] =	vst.add.f32.msk $0xffff, v0  }
0x100: {  	[tilespmem:s14+$0x6010] =	vst.add.f32.msk $0xffff, v1  }
0x101: {  	[tilespmem:s14+$0x6020] =	vst.add.f32.msk $0xffff, v2  }
0x102: {  	[tilespmem:s14+$0x6030] =	vst.add.f32.msk $0xffff, v3  }
0x103: {  	[tilespmem:s14+$0x6040] =	vst.add.f32.msk $0xffff, v4  }
0x104: {  	[tilespmem:s14+$0x6050] =	vst.add.f32.msk $0xffff, v5  }
0x105: {  	s19 =	sadd.s32 $0xC00, s21;
	[tilespmem:s14+$0x6060] =	vst.add.f32.msk $0xffff, v6  }
0x106: {  	s18 =	sor.u32 s16, s19;
	[tilespmem:s14+$0x6070] =	vst.add.f32.msk $0xffff, v7;
	s14 =	sor.u32 s20, s19  }
0x107: {  	v0 =	vld [tilespmem:s14+$0x0]  }
0x108: {  	v1 =	vld [tilespmem:s14+$0x10]  }
0x109: {  	v2 =	vld [tilespmem:s14+$0x20]  }
0x10a: {  	v3 =	vld [tilespmem:s14+$0x30]  }
0x10b: {  	v4 =	vld [tilespmem:s14+$0x40]  }
0x10c: {  	v5 =	vld [tilespmem:s14+$0x50]  }
0x10d: {  	v6 =	vld [tilespmem:s14+$0x60]  }
0x10e: {  	v7 =	vld [tilespmem:s14+$0x70]  }
0x10f: {  	[tilespmem:s14+$0x6000] =	vst.add.f32.msk $0xffff, v0  }
0x110: {  	[tilespmem:s14+$0x6010] =	vst.add.f32.msk $0xffff, v1  }
0x111: {  	[tilespmem:s14+$0x6020] =	vst.add.f32.msk $0xffff, v2  }
0x112: {  	[tilespmem:s14+$0x6030] =	vst.add.f32.msk $0xffff, v3  }
0x113: {  	[tilespmem:s14+$0x6040] =	vst.add.f32.msk $0xffff, v4  }
0x114: {  	[tilespmem:s14+$0x6050] =	vst.add.f32.msk $0xffff, v5  }
0x115: {  	s22 =	sadd.s32 $0x1000, s21;
	[tilespmem:s14+$0x6060] =	vst.add.f32.msk $0xffff, v6  }
0x116: {  	s19 =	sor.u32 s16, s22;
	[tilespmem:s14+$0x6070] =	vst.add.f32.msk $0xffff, v7;
	s14 =	sor.u32 s20, s22  }
0x117: {  	v0 =	vld [tilespmem:s14+$0x0]  }
0x118: {  	v1 =	vld [tilespmem:s14+$0x10]  }
0x119: {  	v2 =	vld [tilespmem:s14+$0x20]  }
0x11a: {  	v3 =	vld [tilespmem:s14+$0x30]  }
0x11b: {  	v4 =	vld [tilespmem:s14+$0x40]  }
0x11c: {  	v5 =	vld [tilespmem:s14+$0x50]  }
0x11d: {  	v6 =	vld [tilespmem:s14+$0x60]  }
0x11e: {  	v7 =	vld [tilespmem:s14+$0x70]  }
0x11f: {  	[tilespmem:s14+$0x6000] =	vst.add.f32.msk $0xffff, v0  }
0x120: {  	[tilespmem:s14+$0x6010] =	vst.add.f32.msk $0xffff, v1  }
0x121: {  	[tilespmem:s14+$0x6020] =	vst.add.f32.msk $0xffff, v2  }
0x122: {  	[tilespmem:s14+$0x6030] =	vst.add.f32.msk $0xffff, v3  }
0x123: {  	[tilespmem:s14+$0x6040] =	vst.add.f32.msk $0xffff, v4  }
0x124: {  	[tilespmem:s14+$0x6050] =	vst.add.f32.msk $0xffff, v5  }
0x125: {  	s21 =	sadd.s32 $0x1400, s21;
	[tilespmem:s14+$0x6060] =	vst.add.f32.msk $0xffff, v6  }
0x126: {  	s16 =	sor.u32 s16, s21;
	[tilespmem:s14+$0x6070] =	vst.add.f32.msk $0xffff, v7;
	s14 =	sor.u32 s20, s21  }
0x127: {  	v0 =	vld [tilespmem:s14+$0x70]  }
0x128: {  	v1 =	vld [tilespmem:s15+$0x0]  }
0x129: {  	v2 =	vld [tilespmem:s15+$0x10]  }
0x12a: {  	v3 =	vld [tilespmem:s15+$0x20]  }
0x12b: {  	v4 =	vld [tilespmem:s15+$0x30]  }
0x12c: {  	[tilespmem:s14+$0x6070] =	vst.add.f32.msk $0xffff, v0  }
0x12d: {  	v0 =	vld [tilespmem:s15+$0x40]  }
0x12e: {  	v5 =	vld [tilespmem:s15+$0x50]  }
0x12f: {  	v6 =	vld [tilespmem:s15+$0x60]  }
0x130: {  	v7 =	vld [tilespmem:s15+$0x70]  }
0x131: {  	v8 =	vld [tilespmem:s15+$0x400]  }
0x132: {  	v9 =	vld [tilespmem:s15+$0x410]  }
0x133: {  	v10 =	vld [tilespmem:s15+$0x420]  }
0x134: {  	v11 =	vld [tilespmem:s15+$0x430]  }
0x135: {  	v12 =	vld [tilespmem:s15+$0x440]  }
0x136: {  	v13 =	vld [tilespmem:s15+$0x450]  }
0x137: {  	v14 =	vld [tilespmem:s15+$0x460]  }
0x138: {  	v15 =	vld [tilespmem:s15+$0x470]  }
0x139: {  	[tilespmem:s15+$0x6000] =	vst.add.f32.msk $0xffff, v1  }
0x13a: {  	[tilespmem:s15+$0x6010] =	vst.add.f32.msk $0xffff, v2  }
0x13b: {  	[tilespmem:s15+$0x6020] =	vst.add.f32.msk $0xffff, v3  }
0x13c: {  	[tilespmem:s15+$0x6030] =	vst.add.f32.msk $0xffff, v4  }
0x13d: {  	[tilespmem:s15+$0x6040] =	vst.add.f32.msk $0xffff, v0  }
0x13e: {  	[tilespmem:s15+$0x6050] =	vst.add.f32.msk $0xffff, v5  }
0x13f: {  	[tilespmem:s15+$0x6060] =	vst.add.f32.msk $0xffff, v6  }
0x140: {  	[tilespmem:s15+$0x6070] =	vst.add.f32.msk $0xffff, v7  }
0x141: {  	[tilespmem:s15+$0x6400] =	vst.add.f32.msk $0xffff, v8  }
0x142: {  	[tilespmem:s15+$0x6410] =	vst.add.f32.msk $0xffff, v9  }
0x143: {  	[tilespmem:s15+$0x6420] =	vst.add.f32.msk $0xffff, v10  }
0x144: {  	[tilespmem:s15+$0x6430] =	vst.add.f32.msk $0xffff, v11  }
0x145: {  	[tilespmem:s15+$0x6440] =	vst.add.f32.msk $0xffff, v12  }
0x146: {  	[tilespmem:s15+$0x6450] =	vst.add.f32.msk $0xffff, v13  }
0x147: {  	[tilespmem:s15+$0x6460] =	vst.add.f32.msk $0xffff, v14  }
0x148: {  	[tilespmem:s15+$0x6470] =	vst.add.f32.msk $0xffff, v15  }
0x149: {  	v0 =	vld [tilespmem:s17+$0x0]  }
0x14a: {  	v1 =	vld [tilespmem:s17+$0x10]  }
0x14b: {  	v2 =	vld [tilespmem:s17+$0x20]  }
0x14c: {  	v3 =	vld [tilespmem:s17+$0x30]  }
0x14d: {  	v4 =	vld [tilespmem:s17+$0x40]  }
0x14e: {  	v5 =	vld [tilespmem:s17+$0x50]  }
0x14f: {  	v6 =	vld [tilespmem:s17+$0x60]  }
0x150: {  	v7 =	vld [tilespmem:s17+$0x70]  }
0x151: {  	[tilespmem:s17+$0x6000] =	vst.add.f32.msk $0xffff, v0  }
0x152: {  	[tilespmem:s17+$0x6010] =	vst.add.f32.msk $0xffff, v1  }
0x153: {  	[tilespmem:s17+$0x6020] =	vst.add.f32.msk $0xffff, v2  }
0x154: {  	[tilespmem:s17+$0x6030] =	vst.add.f32.msk $0xffff, v3  }
0x155: {  	[tilespmem:s17+$0x6040] =	vst.add.f32.msk $0xffff, v4  }
0x156: {  	[tilespmem:s17+$0x6050] =	vst.add.f32.msk $0xffff, v5  }
0x157: {  	[tilespmem:s17+$0x6060] =	vst.add.f32.msk $0xffff, v6  }
0x158: {  	[tilespmem:s17+$0x6070] =	vst.add.f32.msk $0xffff, v7  }
0x159: {  	v0 =	vld [tilespmem:s18+$0x0]  }
0x15a: {  	v1 =	vld [tilespmem:s18+$0x10]  }
0x15b: {  	v2 =	vld [tilespmem:s18+$0x20]  }
0x15c: {  	v3 =	vld [tilespmem:s18+$0x30]  }
0x15d: {  	v4 =	vld [tilespmem:s18+$0x40]  }
0x15e: {  	v5 =	vld [tilespmem:s18+$0x50]  }
0x15f: {  	v6 =	vld [tilespmem:s18+$0x60]  }
0x160: {  	v7 =	vld [tilespmem:s18+$0x70]  }
0x161: {  	[tilespmem:s18+$0x6000] =	vst.add.f32.msk $0xffff, v0  }
0x162: {  	[tilespmem:s18+$0x6010] =	vst.add.f32.msk $0xffff, v1  }
0x163: {  	[tilespmem:s18+$0x6020] =	vst.add.f32.msk $0xffff, v2  }
0x164: {  	[tilespmem:s18+$0x6030] =	vst.add.f32.msk $0xffff, v3  }
0x165: {  	[tilespmem:s18+$0x6040] =	vst.add.f32.msk $0xffff, v4  }
0x166: {  	[tilespmem:s18+$0x6050] =	vst.add.f32.msk $0xffff, v5  }
0x167: {  	[tilespmem:s18+$0x6060] =	vst.add.f32.msk $0xffff, v6  }
0x168: {  	[tilespmem:s18+$0x6070] =	vst.add.f32.msk $0xffff, v7  }
0x169: {  	v0 =	vld [tilespmem:s19+$0x0]  }
0x16a: {  	v1 =	vld [tilespmem:s19+$0x10]  }
0x16b: {  	v2 =	vld [tilespmem:s19+$0x20]  }
0x16c: {  	v3 =	vld [tilespmem:s19+$0x30]  }
0x16d: {  	v4 =	vld [tilespmem:s19+$0x40]  }
0x16e: {  	v5 =	vld [tilespmem:s19+$0x50]  }
0x16f: {  	v6 =	vld [tilespmem:s19+$0x60]  }
0x170: {  	v7 =	vld [tilespmem:s19+$0x70]  }
0x171: {  	[tilespmem:s19+$0x6000] =	vst.add.f32.msk $0xffff, v0  }
0x172: {  	[tilespmem:s19+$0x6010] =	vst.add.f32.msk $0xffff, v1  }
0x173: {  	[tilespmem:s19+$0x6020] =	vst.add.f32.msk $0xffff, v2  }
0x174: {  	[tilespmem:s19+$0x6030] =	vst.add.f32.msk $0xffff, v3  }
0x175: {  	[tilespmem:s19+$0x6040] =	vst.add.f32.msk $0xffff, v4  }
0x176: {  	[tilespmem:s19+$0x6050] =	vst.add.f32.msk $0xffff, v5  }
0x177: {  	[tilespmem:s19+$0x6060] =	vst.add.f32.msk $0xffff, v6  }
0x178: {  	[tilespmem:s19+$0x6070] =	vst.add.f32.msk $0xffff, v7  }
0x179: {  	v5 =	vld [tilespmem:s16+$0x0]  }
0x17a: {  	v6 =	vld [tilespmem:s16+$0x10]  }
0x17b: {  	v7 =	vld [tilespmem:s16+$0x20]  }
0x17c: {  	v8 =	vld [tilespmem:s16+$0x30]  }
0x17d: {  	v9 =	vld [tilespmem:s16+$0x40]  }
0x17e: {  	v10 =	vld [tilespmem:s16+$0x50]  }
0x17f: {  	v11 =	vld [tilespmem:s16+$0x60]  }
0x180: {  	v12 =	vld [tilespmem:s16+$0x70]  }
0x181: {  	v13 =	vld [tilespmem:s14+$0x0]  }
0x182: {  	v14 =	vld [tilespmem:s14+$0x10]  }
0x183: {  	v4 =	vld [tilespmem:s14+$0x20]  }
0x184: {  	v3 =	vld [tilespmem:s14+$0x30]  }
0x185: {  	v2 =	vld [tilespmem:s14+$0x40]  }
0x186: {  	v1 =	vld [tilespmem:s14+$0x50]  }
0x187: {  	v0 =	vld [tilespmem:s14+$0x60]  }
0x188: {  	[tilespmem:s16+$0x6000] =	vst.add.f32.msk $0xffff, v5  }
0x189: {  	[tilespmem:s16+$0x6010] =	vst.add.f32.msk $0xffff, v6  }
0x18a: {  	[tilespmem:s16+$0x6020] =	vst.add.f32.msk $0xffff, v7  }
0x18b: {  	[tilespmem:s16+$0x6030] =	vst.add.f32.msk $0xffff, v8  }
0x18c: {  	[tilespmem:s16+$0x6040] =	vst.add.f32.msk $0xffff, v9  }
.Ltmp0:
0x18d: {  	[tilespmem:s16+$0x6050] =	vst.add.f32.msk $0xffff, v10;
	(pc) =	sbr.rel @p0 .LBB2_2-.Ltmp0, $4  }
0x18e: {  	[tilespmem:s16+$0x6060] =	vst.add.f32.msk $0xffff, v11  }
0x18f: {  	[tilespmem:s16+$0x6070] =	vst.add.f32.msk $0xffff, v12  }
0x190: {  	[tilespmem:s14+$0x6000] =	vst.add.f32.msk $0xffff, v13  }
0x191: {  	[tilespmem:s14+$0x6010] =	vst.add.f32.msk $0xffff, v14  }
0x192: {  	[tilespmem:s14+$0x6020] =	vst.add.f32.msk $0xffff, v4  }
0x193: {  	[tilespmem:s14+$0x6030] =	vst.add.f32.msk $0xffff, v3  }
0x194: {  	[tilespmem:s14+$0x6040] =	vst.add.f32.msk $0xffff, v2;
	s11 =	sadd.s32 $0x1, s11  }
0x195: {  	[tilespmem:s14+$0x6050] =	vst.add.f32.msk $0xffff, v1;
	p0 =	sne.s32 s11, s6  }
.Ltmp1:
0x196: {  	[tilespmem:s14+$0x6060] =	vst.add.f32.msk $0xffff, v0;
	(pc) =	sbr.rel @p0 .LBB2_1-.Ltmp1, $4  }
0x197: {  	[hbm4b:s5+s2] =	stream.linear.scatter [tilespmem:s7], [sflag:$0x3], $0x6000, $0x38;
	[tilespmem:$0xC000] =	vst v63  }
0x198: {  	_ =	swait.ge [sflag:s10], $0x6000  }
0x199: {  	[sflag:s10] =	ssyncset.done $0x0  }
0x19a: {  	[sflag:s10] =	ssyncadd.s32 $0xFFFFA000  }
0x19b: {  	_ =	sfence.sel $0x180000  }
0x19c: {  	[bflag:$0x0] =	sbarrier.arrive $0xFFFF  }
0x19d: {  	p0 =	sne.s32 s0, $0x0;
	_ =	strace $0x90000047  }
0x19e: {  	s0 =	sadd.s32 @!p0 $0x100000, s1;
	[bflag:$0x2] =	sbarrier.arrive $0xFFFF  }
0x19f: {  	[sflag:s0] =	ssyncadd.tile.s32 @!p0 $0x1;
	_ =	shalt  }
.Lfunc_end2:
_tile_overlayer_lowered:
.L_overlay_start_2:
0x1a0: {  	(tag) =	ssettag $0x2  }
0x1a1: {  	s0 =	rddreg [dreg:$0x0];
	s2 =	stileid.u32  }
0x1a2: {  	s1 =	rddreg [dreg:$0x1];
	p0 =	sne.s32 s2, $0x0  }
0x1a3: {  	s3 =	rddreg [dreg:$0x2];
	[bflag:$0x3] =	sbarrier.arrive $0xFFFF;
	s2 =	simm.s32 @!p0 $0x1C03  }
0x1a4: {  	[timem:s3], [sflag:s2] =	dma.local @!p0 [hbm:s0], s1  }
0x1a5: {  	s0 =	simm.s32 @!p0 $0x3  }
0x1a6: {  	_ =	swait.ge @!p0 [sflag:s0], s1  }
0x1a7: {  	s1 =	ssub.s32 @!p0 $0x0, s1;
	[sflag:s0] =	ssyncset.done @!p0 $0x0  }
0x1a8: {  	[sflag:s0] =	ssyncadd.s32 @!p0 s1  }
0x1a9: {  	[bflag:$0x3] =	sbarrier.arrive $0xFFFF  }
0x1aa: {  	_ =	shalt  }

</sc_bundles>
